<compile_context>
chip_gen: v7x
topology: tpu7x:2x2x1
jax: 0.10.2.dev20260603
libtpu: 0.0.44.dev20260713+nightly
codegen_flags: <defaults>
</compile_context>

<pallas_src>
import functools

import jax
import jax.numpy as jnp
from jax import lax
from jax.experimental import pallas as pl
from jax.experimental.pallas import tpu as pltpu
from jax.experimental.pallas import tpu_sc as plsc

N = 10000
E = 320000
D = 128
R = 64

NC = 2
NS = 16
NW = NC * NS
CHUNK = 72
RPT = 624
REM = N - NS * RPT

CFG_FULL = (0, E // NW, 138, 16)

BN = 2000
BE = 12800


def _silu(x):
    return x * jax.nn.sigmoid(x)


def _dot_t(x, w):
    return jax.lax.dot_general(x, w, (((1,), (1,)), ((), ())),
                               preferred_element_type=jnp.float32)


def _pack_bf16_pair(lo_f32, hi_f32):
    hi_bits = jax.lax.bitcast_convert_type(
        hi_f32.astype(jnp.bfloat16).astype(jnp.float32), jnp.int32)
    lo_bits = jax.lax.shift_right_logical(
        jax.lax.bitcast_convert_type(
            lo_f32.astype(jnp.bfloat16).astype(jnp.float32), jnp.int32),
        jnp.int32(16))
    return hi_bits | lo_bits


def _a1_body(f_ref, wi_ref, bi_ref, wj_ref, bj_ref, xi_ref, xjd_ref):
    xa = _silu(f_ref[...])
    xi_ref[...] = _silu(_dot_t(xa, wi_ref[...]) + bi_ref[...])
    xjd_ref[...] = _silu(_dot_t(xa, wj_ref[...]) + bj_ref[...])


def _stage_a1(features, wiT, bi, wjT, bj):
    grid = (N // BN,)
    return pl.pallas_call(
        _a1_body,
        grid=grid,
        in_specs=[
            pl.BlockSpec((BN, D), lambda i: (i, 0)),
            pl.BlockSpec((D, D), lambda i: (0, 0)),
            pl.BlockSpec((1, D), lambda i: (0, 0)),
            pl.BlockSpec((D, D), lambda i: (0, 0)),
            pl.BlockSpec((1, D), lambda i: (0, 0)),
        ],
        out_specs=[
            pl.BlockSpec((BN, D), lambda i: (i, 0)),
            pl.BlockSpec((BN, D), lambda i: (i, 0)),
        ],
        out_shape=[
            jax.ShapeDtypeStruct((N, D), jnp.float32),
            jax.ShapeDtypeStruct((N, D), jnp.float32),
        ],
    )(features, wiT, bi, wjT, bj)


def _a2_body(dT_ref, wglo_ref, wghi_ref, g_ref):
    dT = dT_ref[...]
    glo = jax.lax.dot_general(dT, wglo_ref[...], (((0,), (1,)), ((), ())),
                              preferred_element_type=jnp.float32)
    ghi = jax.lax.dot_general(dT, wghi_ref[...], (((0,), (1,)), ((), ())),
                              preferred_element_type=jnp.float32)
    g_ref[...] = _pack_bf16_pair(glo, ghi)


def _stage_a2(descriptorsT, Wg, ebase, ne):
    grid = (ne // BE,)
    h = D // 2
    boff = ebase // BE
    return pl.pallas_call(
        _a2_body,
        grid=grid,
        in_specs=[
            pl.BlockSpec((R, BE), lambda i: (0, boff + i)),
            pl.BlockSpec((h, R), lambda i: (0, 0)),
            pl.BlockSpec((h, R), lambda i: (1, 0)),
        ],
        out_specs=pl.BlockSpec((BE, h), lambda i: (i, 0)),
        out_shape=jax.ShapeDtypeStruct((ne, h), jnp.int32),
    )(descriptorsT, Wg, Wg)


def _sc_edge_body(cfg, g_hbm, xjd_hbm, idxj_hbm, idxi_hbm, out_hbm,
                  g_v0, g_v1, rows_v0, rows_v1, prod,
                  idxj_v0, idxj_v1, idxi_v0, idxi_v1,
                  jt, it, acc,
                  sg0, sg1, sr0, sr1, sj0, sj1, si0, si1):
    ebase, epw, nchunk, tail = cfg
    c = lax.axis_index("c")
    s = lax.axis_index("s")

    gv = (g_v0, g_v1)
    rv = (rows_v0, rows_v1)
    jv = (idxj_v0, idxj_v1)
    iv = (idxi_v0, idxi_v1)
    sg = (sg0, sg1)
    sr = (sr0, sr1)
    sj = (sj0, sj1)
    si = (si0, si1)

    def _zrow(e, carry):
        for q in range(D // 16):
            prod[e, pl.ds(q * 16, 16)] = jnp.zeros((16,), jnp.float32)
        return carry
    lax.fori_loop(0, CHUNK, _zrow, 0)
    for k in range(RPT // CHUNK):
        pltpu.sync_copy(prod, acc.at[pl.ds(s * RPT + k * CHUNK, CHUNK)])
    nfull = (RPT // CHUNK) * CHUNK
    pltpu.sync_copy(prod.at[pl.ds(0, RPT - nfull)],
                    acc.at[pl.ds(s * RPT + nfull, RPT - nfull)])

    @pl.when(s == 0)
    def _zero_rem():
        pltpu.sync_copy(prod.at[pl.ds(0, REM)], acc.at[pl.ds(NS * RPT, REM)])

    plsc.subcore_barrier()

    wbase = (c * NS + s) * epw

    def _dsg(kk):
        kkw = jnp.minimum(kk, nchunk - 1)
        return pl.ds(wbase + kkw * CHUNK, CHUNK)

    def _dsi(kk):
        kkw = jnp.minimum(kk, nchunk - 1)
        return pl.ds(ebase + wbase + kkw * CHUNK, CHUNK)

    himask = jax.lax.broadcast(jnp.int32(-65536), (16,))

    def _mul_edge(gref, rref, dst_e, e):
        for q in range(D // 32):
            ds16 = pl.ds(q * 16, 16)
            gw = gref[e, ds16]
            glo = jax.lax.bitcast_convert_type(
                jax.lax.shift_left(gw, 16), jnp.float32)
            ghi = jax.lax.bitcast_convert_type(gw & himask, jnp.float32)
            rlo = rref[e, pl.ds(q * 16, 16)]
            rhi = rref[e, pl.ds(64 + q * 16, 16)]
            prod[dst_e, pl.ds(q * 16, 16)] = glo * rlo
            prod[dst_e, pl.ds(64 + q * 16, 16)] = ghi * rhi

    def _mul_chunk(b):
        def _mul(e, cc):
            _mul_edge(gv[b], rv[b], e, e)
            return cc
        lax.fori_loop(0, CHUNK, _mul, 0)

    def _step(k, b):
        nb = 1 - b
        pltpu.make_async_copy(idxj_hbm.at[_dsi(k + 1)], jv[nb], sj[nb]).wait()
        pltpu.async_copy(g_hbm.at[_dsg(k + 1)], gv[nb], sg[nb])
        pltpu.async_copy(xjd_hbm.at[jv[nb]], rv[nb], sr[nb])
        pltpu.make_async_copy(g_hbm.at[_dsg(k)], gv[b], sg[b]).wait()
        pltpu.make_async_copy(xjd_hbm.at[jv[b]], rv[b], sr[b]).wait()
        pltpu.async_copy(idxj_hbm.at[_dsi(k + 2)], jv[b], sj[b])
        pltpu.async_copy(idxi_hbm.at[_dsi(k + 1)], iv[nb], si[nb])
        _mul_chunk(b)
        pltpu.make_async_copy(idxi_hbm.at[_dsi(k)], iv[b], si[b]).wait()
        pltpu.sync_copy(prod, acc.at[iv[b]], add=True)

    pltpu.async_copy(idxj_hbm.at[_dsi(0)], jv[0], sj[0])
    pltpu.async_copy(idxi_hbm.at[_dsi(0)], iv[0], si[0])
    pltpu.async_copy(idxj_hbm.at[_dsi(1)], jv[1], sj[1])
    pltpu.make_async_copy(idxj_hbm.at[_dsi(0)], jv[0], sj[0]).wait()
    pltpu.async_copy(g_hbm.at[_dsg(0)], gv[0], sg[0])
    pltpu.async_copy(xjd_hbm.at[jv[0]], rv[0], sr[0])

    def _pair(t, carry):
        _step(2 * t, 0)
        _step(2 * t + 1, 1)
        return carry
    lax.fori_loop(0, nchunk // 2, _pair, 0)

    pltpu.make_async_copy(g_hbm.at[_dsg(0)], gv[0], sg[0]).wait()
    pltpu.make_async_copy(xjd_hbm.at[jv[0]], rv[0], sr[0]).wait()
    pltpu.make_async_copy(idxj_hbm.at[_dsi(0)], jv[1], sj[1]).wait()
    pltpu.make_async_copy(idxi_hbm.at[_dsi(0)], iv[0], si[0]).wait()

    if tail:
        wtail = wbase + nchunk * CHUNK
        pltpu.sync_copy(idxj_hbm.at[pl.ds(ebase + wtail, tail)], jt)
        pltpu.sync_copy(idxi_hbm.at[pl.ds(ebase + wtail, tail)], it)
        pltpu.sync_copy(g_hbm.at[pl.ds(wtail, tail)], gv[0].at[pl.ds(0, tail)])
        pltpu.async_copy(xjd_hbm.at[jt], rv[0].at[pl.ds(0, tail)], sr0).wait()

        def _mul_tail(e, cc):
            _mul_edge(gv[0], rv[0], e, e)
            return cc
        lax.fori_loop(0, tail, _mul_tail, 0)
        pltpu.sync_copy(prod.at[pl.ds(0, tail)], acc.at[it], add=True)

    plsc.subcore_barrier()

    rbase = s * RPT
    pltpu.sync_copy(acc.at[pl.ds(rbase, RPT)],
                    out_hbm.at[c, pl.ds(rbase, RPT)])

    @pl.when(s == 0)
    def _write_rem():
        pltpu.sync_copy(acc.at[pl.ds(NS * RPT, REM)],
                        out_hbm.at[c, pl.ds(NS * RPT, REM)])


def _stage_b(g, xjd, idx_j, idx_i, cfg):
    tail_buf = max(cfg[3], 8)
    mesh = plsc.VectorSubcoreMesh(core_axis_name="c", subcore_axis_name="s",
                                  num_cores=NC, num_subcores=NS)
    fn = pl.kernel(
        functools.partial(_sc_edge_body, cfg),
        out_type=jax.ShapeDtypeStruct((NC, N, D), jnp.float32),
        mesh=mesh,
        scratch_types=[
            pltpu.VMEM((CHUNK, D // 2), jnp.int32),
            pltpu.VMEM((CHUNK, D // 2), jnp.int32),
            pltpu.VMEM((CHUNK, D), jnp.float32),
            pltpu.VMEM((CHUNK, D), jnp.float32),
            pltpu.VMEM((CHUNK, D), jnp.float32),
            pltpu.VMEM((CHUNK,), jnp.int32),
            pltpu.VMEM((CHUNK,), jnp.int32),
            pltpu.VMEM((CHUNK,), jnp.int32),
            pltpu.VMEM((CHUNK,), jnp.int32),
            pltpu.VMEM((tail_buf,), jnp.int32),
            pltpu.VMEM((tail_buf,), jnp.int32),
            pltpu.VMEM_SHARED((N, D), jnp.float32),
            pltpu.SemaphoreType.DMA,
            pltpu.SemaphoreType.DMA,
            pltpu.SemaphoreType.DMA,
            pltpu.SemaphoreType.DMA,
            pltpu.SemaphoreType.DMA,
            pltpu.SemaphoreType.DMA,
            pltpu.SemaphoreType.DMA,
            pltpu.SemaphoreType.DMA,
        ],
    )
    return fn(g, xjd, idx_j, idx_i)


def _c_body(xi_ref, p_ref, f_ref,
            riW1_ref, rib1_ref, riW2_ref, rib2_ref,
            wd_ref, bd_ref, u_ref,
            raW1_ref, rab1_ref, raW2_ref, rab2_ref,
            out_ref):
    m = xi_ref[...] + (p_ref[0] + p_ref[1])
    for i in range(riW1_ref.shape[0]):
        y = _silu(m)
        t = _silu(_dot_t(y, riW1_ref[i]) + rib1_ref[i])
        m = m + _dot_t(t, riW2_ref[i]) + rib2_ref[i]
    m = _silu(m)
    x = u_ref[...] * f_ref[...] + _dot_t(m, wd_ref[...]) + bd_ref[...]
    for i in range(raW1_ref.shape[0]):
        y = _silu(x)
        t = _silu(_dot_t(y, raW1_ref[i]) + rab1_ref[i])
        x = x + _dot_t(t, raW2_ref[i]) + rab2_ref[i]
    out_ref[...] = x


def _stage_c(xi, p, features, riW1, rib1, riW2, rib2, wd, bd, u,
             raW1, rab1, raW2, rab2):
    grid = (N // BN,)
    nri = riW1.shape[0]
    nra = raW1.shape[0]
    return pl.pallas_call(
        _c_body,
        grid=grid,
        in_specs=[
            pl.BlockSpec((BN, D), lambda i: (i, 0)),
            pl.BlockSpec((NC, BN, D), lambda i: (0, i, 0)),
            pl.BlockSpec((BN, D), lambda i: (i, 0)),
            pl.BlockSpec((nri, D, D), lambda i: (0, 0, 0)),
            pl.BlockSpec((nri, 1, D), lambda i: (0, 0, 0)),
            pl.BlockSpec((nri, D, D), lambda i: (0, 0, 0)),
            pl.BlockSpec((nri, 1, D), lambda i: (0, 0, 0)),
            pl.BlockSpec((D, D), lambda i: (0, 0)),
            pl.BlockSpec((1, D), lambda i: (0, 0)),
            pl.BlockSpec((1, D), lambda i: (0, 0)),
            pl.BlockSpec((nra, D, D), lambda i: (0, 0, 0)),
            pl.BlockSpec((nra, 1, D), lambda i: (0, 0, 0)),
            pl.BlockSpec((nra, D, D), lambda i: (0, 0, 0)),
            pl.BlockSpec((nra, 1, D), lambda i: (0, 0, 0)),
        ],
        out_specs=pl.BlockSpec((BN, D), lambda i: (i, 0)),
        out_shape=jax.ShapeDtypeStruct((N, D), jnp.float32),
    )(xi, p, features, riW1, rib1, riW2, rib2, wd, bd, u,
      raW1, rab1, raW2, rab2)


def kernel(features, descriptors, idx_i, idx_j, Wg, Wi, bi, Wj, bj,
           ri_W1, ri_b1, ri_W2, ri_b2, Wd, bd, u, ra_W1, ra_b1, ra_W2, ra_b2):
    bi2 = bi.reshape(1, D)
    bd2 = bd.reshape(1, D)
    u2 = u.reshape(1, D)
    rib1 = ri_b1.reshape(-1, 1, D)
    rib2 = ri_b2.reshape(-1, 1, D)
    rab1 = ra_b1.reshape(-1, 1, D)
    rab2 = ra_b2.reshape(-1, 1, D)

    xi, xjd = _stage_a1(features, Wi, bi2, Wj, bj.reshape(1, D))
    g = _stage_a2(descriptors.T, Wg, 0, E)
    p = _stage_b(g, xjd, idx_j, idx_i, CFG_FULL)
    return _stage_c(xi, p, features, ri_W1, rib1, ri_W2, rib2, Wd, bd2,
                    u2, ra_W1, rab1, ra_W2, rab2)

# --- scband reference (transcript-rebuilt; emitter-appended) ---
"""Pipeline reference for scband-interaction-block-11510512353346 (READ-ONLY COPY).

The authoritative reference and input builder live on the scoring server;
editing this copy changes nothing except your own understanding.
"""

import jax, jax.numpy as jnp
import numpy as np

N = 10000
E = 320000
D = 128
R = 64
NRI = 3
NRA = 2

def act(x):
    return jax.nn.silu(x)

def setup_inputs(seed: int = 0):
    key = jax.random.key(seed)
    ks = jax.random.split(key, 24)
    s = 0.05
    inp = {}
    inp['features'] = jax.random.normal(ks[0], (N, D), dtype=jnp.float32)
    inp['descriptors'] = jax.random.normal(ks[1], (E, R), dtype=jnp.float32)
    inp['idx_i'] = jnp.sort(jax.random.randint(ks[2], (E,), 0, N, dtype=jnp.int32))
    inp['idx_j'] = jax.random.randint(ks[3], (E,), 0, N, dtype=jnp.int32)
    inp['Wg'] = jax.random.normal(ks[4], (D, R), dtype=jnp.float32) * s
    inp['Wi'] = jax.random.normal(ks[5], (D, D), dtype=jnp.float32) * s
    inp['bi'] = jnp.zeros((D,), dtype=jnp.float32)
    inp['Wj'] = jax.random.normal(ks[6], (D, D), dtype=jnp.float32) * s
    inp['bj'] = jnp.zeros((D,), dtype=jnp.float32)
    inp['ri_W1'] = jax.random.normal(ks[7], (NRI, D, D), dtype=jnp.float32) * s
    inp['ri_b1'] = jnp.zeros((NRI, D), dtype=jnp.float32)
    inp['ri_W2'] = jax.random.normal(ks[8], (NRI, D, D), dtype=jnp.float32) * s
    inp['ri_b2'] = jnp.zeros((NRI, D), dtype=jnp.float32)
    inp['Wd'] = jax.random.normal(ks[9], (D, D), dtype=jnp.float32) * s
    inp['bd'] = jnp.zeros((D,), dtype=jnp.float32)
    inp['u'] = jnp.ones((D,), dtype=jnp.float32)
    inp['ra_W1'] = jax.random.normal(ks[10], (NRA, D, D), dtype=jnp.float32) * s
    inp['ra_b1'] = jnp.zeros((NRA, D), dtype=jnp.float32)
    inp['ra_W2'] = jax.random.normal(ks[11], (NRA, D, D), dtype=jnp.float32) * s
    inp['ra_b2'] = jnp.zeros((NRA, D), dtype=jnp.float32)
    return inp

def _residual_stack(m, W1, b1, W2, b2):
    # ResidualLayer: y = act(m); m = m + res_lin(act(dense_lin(y)))
    for i in range(W1.shape[0]):
        y = act(m)
        t = act(y @ W1[i].T + b1[i])
        m = m + t @ W2[i].T + b2[i]
    return m

def _forward(features, descriptors, Wg, Wi, bi, Wj, bj, ri_W1, ri_b1, ri_W2, ri_b2, Wd, bd, u, ra_W1, ra_b1, ra_W2, ra_b2, idx_i, idx_j):
    x = features
    xa = act(x)
    g = descriptors @ Wg.T                 # desc2feat (no bias)
    xi = act(xa @ Wi.T + bi)               # dense_i
    xjd = act(xa @ Wj.T + bj)              # dense_j
    pxj = g * jnp.take(xjd, idx_j, axis=0) # edge gather + modulate
    xj = jax.ops.segment_sum(pxj, idx_i, num_segments=N)  # scatter-add to dst
    message = xi + xj
    message = _residual_stack(message, ri_W1, ri_b1, ri_W2, ri_b2)
    message = act(message)
    x = u * x + (message @ Wd.T + bd)
    x = _residual_stack(x, ra_W1, ra_b1, ra_W2, ra_b2)
    return x

def reference(features, descriptors, idx_i, idx_j, Wg, Wi, bi, Wj, bj, ri_W1, ri_b1, ri_W2, ri_b2, Wd, bd, u, ra_W1, ra_b1, ra_W2, ra_b2):
    return _forward(features, descriptors, Wg, Wi, bi, Wj, bj, ri_W1, ri_b1, ri_W2, ri_b2, Wd, bd, u, ra_W1, ra_b1, ra_W2, ra_b2, idx_i, idx_j)

if __name__ == "__main__":
    import jax
    _d = setup_inputs()
    print(jax.jit(kernel)(*tuple(_d.values())))

</pallas_src>

<mosaic_0001>
#map = affine_map<(d0, d1) -> (0, 0)>
#map1 = affine_map<(d0, d1) -> (0)>
#map2 = affine_map<(d0, d1) -> (0, 0, 0)>
module attributes {stable_mosaic.version = 14 : i64} {
  func.func @_sc_edge_body(%arg0: i32, %arg1: i32, %arg2: memref<320000x64xi32, #tpu.memory_space<hbm>>, %arg3: memref<10000x128xf32, #tpu.memory_space<hbm>>, %arg4: memref<320000xi32, #tpu.memory_space<hbm>>, %arg5: memref<320000xi32, #tpu.memory_space<hbm>>, %arg6: memref<2x10000x128xf32, #tpu.memory_space<hbm>>, %arg7: memref<72x64xi32, #tpu.memory_space<vmem>>, %arg8: memref<72x64xi32, #tpu.memory_space<vmem>>, %arg9: memref<72x128xf32, #tpu.memory_space<vmem>>, %arg10: memref<72x128xf32, #tpu.memory_space<vmem>>, %arg11: memref<72x128xf32, #tpu.memory_space<vmem>>, %arg12: memref<72xi32, #tpu.memory_space<vmem>>, %arg13: memref<72xi32, #tpu.memory_space<vmem>>, %arg14: memref<72xi32, #tpu.memory_space<vmem>>, %arg15: memref<72xi32, #tpu.memory_space<vmem>>, %arg16: memref<16xi32, #tpu.memory_space<vmem>>, %arg17: memref<16xi32, #tpu.memory_space<vmem>>, %arg18: memref<10000x128xf32, #tpu.memory_space<vmem_shared>>, %arg19: memref<!tpu.dma_semaphore, #tpu.memory_space<semaphore_mem>>, %arg20: memref<!tpu.dma_semaphore, #tpu.memory_space<semaphore_mem>>, %arg21: memref<!tpu.dma_semaphore, #tpu.memory_space<semaphore_mem>>, %arg22: memref<!tpu.dma_semaphore, #tpu.memory_space<semaphore_mem>>, %arg23: memref<!tpu.dma_semaphore, #tpu.memory_space<semaphore_mem>>, %arg24: memref<!tpu.dma_semaphore, #tpu.memory_space<semaphore_mem>>, %arg25: memref<!tpu.dma_semaphore, #tpu.memory_space<semaphore_mem>>, %arg26: memref<!tpu.dma_semaphore, #tpu.memory_space<semaphore_mem>>) attributes {dimension_semantics = [#tpu.dimension_semantics<core_parallel>, #tpu.dimension_semantics<subcore_parallel>], iteration_bounds = array<i64: 2, 16>, scalar_prefetch = 0 : i64, scratch_operands = 20 : i64, tpu.core_type = #tpu.core_type<sc_vector_subcore>, window_params = [{transform_indices = #map}, {transform_indices = #map}, {transform_indices = #map1}, {transform_indices = #map1}, {transform_indices = #map2}]} {
    %scan3A = arith.constant 0 : i32
    %scan3A_0 = arith.constant 0 : i32
    %scan3A_1 = arith.constant 72 : i32
    %scan3A_2 = arith.addi %scan3A_0, %scan3A_1 : i32
    %scan3A_3 = arith.constant 1 : i32
    scf.for %scan3A_168 = %scan3A_0 to %scan3A_2 step %scan3A_3  : i32 {
      %broadcast_in_dim3A_169 = arith.constant 0.000000e+00 : f32
      %broadcast_in_dim3A_170 = vector.broadcast %broadcast_in_dim3A_169 : f32 to vector<16xf32>
      %swap3A = arith.index_cast %scan3A_168 : i32 to index
      %swap3A_171 = arith.constant 0 : index
      %swap3A_172 = tpu.vector_load %arg11[%swap3A, %swap3A_171] {strides = array<i32>} : memref<72x128xf32, #tpu.memory_space<vmem>>, vector<1x16xf32>,
      %swap3A_173 = vector.shape_cast %swap3A_172 : vector<1x16xf32> to vector<16xf32>
      %swap3A_174 = vector.shape_cast %broadcast_in_dim3A_170 : vector<16xf32> to vector<1x16xf32>
      tpu.vector_store %arg11[%swap3A, %swap3A_171], %swap3A_174 {strides = array<i32>} : memref<72x128xf32, #tpu.memory_space<vmem>>, vector<1x16xf32>,
      %broadcast_in_dim3A_175 = arith.constant 0.000000e+00 : f32
      %broadcast_in_dim3A_176 = vector.broadcast %broadcast_in_dim3A_175 : f32 to vector<16xf32>
      %swap3A_177 = arith.index_cast %scan3A_168 : i32 to index
      %swap3A_178 = arith.constant 16 : index
      %swap3A_179 = tpu.vector_load %arg11[%swap3A_177, %swap3A_178] {strides = array<i32>} : memref<72x128xf32, #tpu.memory_space<vmem>>, vector<1x16xf32>,
      %swap3A_180 = vector.shape_cast %swap3A_179 : vector<1x16xf32> to vector<16xf32>
      %swap3A_181 = vector.shape_cast %broadcast_in_dim3A_176 : vector<16xf32> to vector<1x16xf32>
      tpu.vector_store %arg11[%swap3A_177, %swap3A_178], %swap3A_181 {strides = array<i32>} : memref<72x128xf32, #tpu.memory_space<vmem>>, vector<1x16xf32>,
      %broadcast_in_dim3A_182 = arith.constant 0.000000e+00 : f32
      %broadcast_in_dim3A_183 = vector.broadcast %broadcast_in_dim3A_182 : f32 to vector<16xf32>
      %swap3A_184 = arith.index_cast %scan3A_168 : i32 to index
      %swap3A_185 = arith.constant 32 : index
      %swap3A_186 = tpu.vector_load %arg11[%swap3A_184, %swap3A_185] {strides = array<i32>} : memref<72x128xf32, #tpu.memory_space<vmem>>, vector<1x16xf32>,
      %swap3A_187 = vector.shape_cast %swap3A_186 : vector<1x16xf32> to vector<16xf32>
      %swap3A_188 = vector.shape_cast %broadcast_in_dim3A_183 : vector<16xf32> to vector<1x16xf32>
      tpu.vector_store %arg11[%swap3A_184, %swap3A_185], %swap3A_188 {strides = array<i32>} : memref<72x128xf32, #tpu.memory_space<vmem>>, vector<1x16xf32>,
      %broadcast_in_dim3A_189 = arith.constant 0.000000e+00 : f32
      %broadcast_in_dim3A_190 = vector.broadcast %broadcast_in_dim3A_189 : f32 to vector<16xf32>
      %swap3A_191 = arith.index_cast %scan3A_168 : i32 to index
      %swap3A_192 = arith.constant 48 : index
      %swap3A_193 = tpu.vector_load %arg11[%swap3A_191, %swap3A_192] {strides = array<i32>} : memref<72x128xf32, #tpu.memory_space<vmem>>, vector<1x16xf32>,
      %swap3A_194 = vector.shape_cast %swap3A_193 : vector<1x16xf32> to vector<16xf32>
      %swap3A_195 = vector.shape_cast %broadcast_in_dim3A_190 : vector<16xf32> to vector<1x16xf32>
      tpu.vector_store %arg11[%swap3A_191, %swap3A_192], %swap3A_195 {strides = array<i32>} : memref<72x128xf32, #tpu.memory_space<vmem>>, vector<1x16xf32>,
      %broadcast_in_dim3A_196 = arith.constant 0.000000e+00 : f32
      %broadcast_in_dim3A_197 = vector.broadcast %broadcast_in_dim3A_196 : f32 to vector<16xf32>
      %swap3A_198 = arith.index_cast %scan3A_168 : i32 to index
      %swap3A_199 = arith.constant 64 : index
      %swap3A_200 = tpu.vector_load %arg11[%swap3A_198, %swap3A_199] {strides = array<i32>} : memref<72x128xf32, #tpu.memory_space<vmem>>, vector<1x16xf32>,
      %swap3A_201 = vector.shape_cast %swap3A_200 : vector<1x16xf32> to vector<16xf32>
      %swap3A_202 = vector.shape_cast %broadcast_in_dim3A_197 : vector<16xf32> to vector<1x16xf32>
      tpu.vector_store %arg11[%swap3A_198, %swap3A_199], %swap3A_202 {strides = array<i32>} : memref<72x128xf32, #tpu.memory_space<vmem>>, vector<1x16xf32>,
      %broadcast_in_dim3A_203 = arith.constant 0.000000e+00 : f32
      %broadcast_in_dim3A_204 = vector.broadcast %broadcast_in_dim3A_203 : f32 to vector<16xf32>
      %swap3A_205 = arith.index_cast %scan3A_168 : i32 to index
      %swap3A_206 = arith.constant 80 : index
      %swap3A_207 = tpu.vector_load %arg11[%swap3A_205, %swap3A_206] {strides = array<i32>} : memref<72x128xf32, #tpu.memory_space<vmem>>, vector<1x16xf32>,
      %swap3A_208 = vector.shape_cast %swap3A_207 : vector<1x16xf32> to vector<16xf32>
      %swap3A_209 = vector.shape_cast %broadcast_in_dim3A_204 : vector<16xf32> to vector<1x16xf32>
      tpu.vector_store %arg11[%swap3A_205, %swap3A_206], %swap3A_209 {strides = array<i32>} : memref<72x128xf32, #tpu.memory_space<vmem>>, vector<1x16xf32>,
      %broadcast_in_dim3A_210 = arith.constant 0.000000e+00 : f32
      %broadcast_in_dim3A_211 = vector.broadcast %broadcast_in_dim3A_210 : f32 to vector<16xf32>
      %swap3A_212 = arith.index_cast %scan3A_168 : i32 to index
      %swap3A_213 = arith.constant 96 : index
      %swap3A_214 = tpu.vector_load %arg11[%swap3A_212, %swap3A_213] {strides = array<i32>} : memref<72x128xf32, #tpu.memory_space<vmem>>, vector<1x16xf32>,
      %swap3A_215 = vector.shape_cast %swap3A_214 : vector<1x16xf32> to vector<16xf32>
      %swap3A_216 = vector.shape_cast %broadcast_in_dim3A_211 : vector<16xf32> to vector<1x16xf32>
      tpu.vector_store %arg11[%swap3A_212, %swap3A_213], %swap3A_216 {strides = array<i32>} : memref<72x128xf32, #tpu.memory_space<vmem>>, vector<1x16xf32>,
      %broadcast_in_dim3A_217 = arith.constant 0.000000e+00 : f32
      %broadcast_in_dim3A_218 = vector.broadcast %broadcast_in_dim3A_217 : f32 to vector<16xf32>
      %swap3A_219 = arith.index_cast %scan3A_168 : i32 to index
      %swap3A_220 = arith.constant 112 : index
      %swap3A_221 = tpu.vector_load %arg11[%swap3A_219, %swap3A_220] {strides = array<i32>} : memref<72x128xf32, #tpu.memory_space<vmem>>, vector<1x16xf32>,
      %swap3A_222 = vector.shape_cast %swap3A_221 : vector<1x16xf32> to vector<16xf32>
      %swap3A_223 = vector.shape_cast %broadcast_in_dim3A_218 : vector<16xf32> to vector<1x16xf32>
      tpu.vector_store %arg11[%swap3A_219, %swap3A_220], %swap3A_223 {strides = array<i32>} : memref<72x128xf32, #tpu.memory_space<vmem>>, vector<1x16xf32>,
    }
    %scan3A_4 = arith.constant 72 : i32
    %mul3A = arith.constant 624 : i32
    %mul3A_5 = arith.muli %arg1, %mul3A : i32
    %add3A = arith.constant 0 : i32
    %add3A_6 = arith.addi %mul3A_5, %add3A : i32
    "tpu.region"() ({
      %run_scoped3A = tpu.sem_alloc : memref<!tpu.dma_semaphore, #tpu.memory_space<semaphore_mem>>
      %dma_start3A_168 = arith.constant 0 : i32
      %dma_start3A_169 = tpu.memref_slice %arg18[%add3A_6, %dma_start3A_168] : memref<10000x128xf32, #tpu.memory_space<vmem_shared>> -> memref<72x128xf32, #tpu.memory_space<vmem_shared>>
      %dma_start3A_170 = arith.constant 0 : i32
      %dma_start3A_171 = tpu.memref_slice %arg18[%add3A_6, %dma_start3A_170] : memref<10000x128xf32, #tpu.memory_space<vmem_shared>> -> memref<72x128xf32, #tpu.memory_space<vmem_shared>>
      tpu.enqueue_dma source(%arg11 : memref<72x128xf32, #tpu.memory_space<vmem>>) target(%dma_start3A_171 : memref<72x128xf32, #tpu.memory_space<vmem_shared>>) target_semaphore(%run_scoped3A : memref<!tpu.dma_semaphore, #tpu.memory_space<semaphore_mem>>)
      %dma_wait3A_172 = arith.constant 0 : i32
      %dma_wait3A_173 = tpu.memref_slice %arg18[%add3A_6, %dma_wait3A_172] : memref<10000x128xf32, #tpu.memory_space<vmem_shared>> -> memref<72x128xf32, #tpu.memory_space<vmem_shared>>
      %dma_wait3A_174 = arith.constant 0 : i32
      %dma_wait3A_175 = tpu.memref_slice %arg18[%add3A_6, %dma_wait3A_174] : memref<10000x128xf32, #tpu.memory_space<vmem_shared>> -> memref<72x128xf32, #tpu.memory_space<vmem_shared>>
      tpu.wait_dma2 semaphore(%run_scoped3A : memref<!tpu.dma_semaphore, #tpu.memory_space<semaphore_mem>>) src(%arg11 : memref<72x128xf32, #tpu.memory_space<vmem>>) dst(%dma_wait3A_175 : memref<72x128xf32, #tpu.memory_space<vmem_shared>>)
      tpu.yield
    }) : () -> ()
    %mul3A_7 = arith.constant 624 : i32
    %mul3A_8 = arith.muli %arg1, %mul3A_7 : i32
    %add3A_9 = arith.constant 72 : i32
    %add3A_10 = arith.addi %mul3A_8, %add3A_9 : i32
    "tpu.region"() ({
      %run_scoped3A = tpu.sem_alloc : memref<!tpu.dma_semaphore, #tpu.memory_space<semaphore_mem>>
      %dma_start3A_168 = arith.constant 0 : i32
      %dma_start3A_169 = tpu.memref_slice %arg18[%add3A_10, %dma_start3A_168] : memref<10000x128xf32, #tpu.memory_space<vmem_shared>> -> memref<72x128xf32, #tpu.memory_space<vmem_shared>>
      %dma_start3A_170 = arith.constant 0 : i32
      %dma_start3A_171 = tpu.memref_slice %arg18[%add3A_10, %dma_start3A_170] : memref<10000x128xf32, #tpu.memory_space<vmem_shared>> -> memref<72x128xf32, #tpu.memory_space<vmem_shared>>
      tpu.enqueue_dma source(%arg11 : memref<72x128xf32, #tpu.memory_space<vmem>>) target(%dma_start3A_171 : memref<72x128xf32, #tpu.memory_space<vmem_shared>>) target_semaphore(%run_scoped3A : memref<!tpu.dma_semaphore, #tpu.memory_space<semaphore_mem>>)
      %dma_wait3A_172 = arith.constant 0 : i32
      %dma_wait3A_173 = tpu.memref_slice %arg18[%add3A_10, %dma_wait3A_172] : memref<10000x128xf32, #tpu.memory_space<vmem_shared>> -> memref<72x128xf32, #tpu.memory_space<vmem_shared>>
      %dma_wait3A_174 = arith.constant 0 : i32
      %dma_wait3A_175 = tpu.memref_slice %arg18[%add3A_10, %dma_wait3A_174] : memref<10000x128xf32, #tpu.memory_space<vmem_shared>> -> memref<72x128xf32, #tpu.memory_space<vmem_shared>>
      tpu.wait_dma2 semaphore(%run_scoped3A : memref<!tpu.dma_semaphore, #tpu.memory_space<semaphore_mem>>) src(%arg11 : memref<72x128xf32, #tpu.memory_space<vmem>>) dst(%dma_wait3A_175 : memref<72x128xf32, #tpu.memory_space<vmem_shared>>)
      tpu.yield
    }) : () -> ()
    %mul3A_11 = arith.constant 624 : i32
    %mul3A_12 = arith.muli %arg1, %mul3A_11 : i32
    %add3A_13 = arith.constant 144 : i32
    %add3A_14 = arith.addi %mul3A_12, %add3A_13 : i32
    "tpu.region"() ({
      %run_scoped3A = tpu.sem_alloc : memref<!tpu.dma_semaphore, #tpu.memory_space<semaphore_mem>>
      %dma_start3A_168 = arith.constant 0 : i32
      %dma_start3A_169 = tpu.memref_slice %arg18[%add3A_14, %dma_start3A_168] : memref<10000x128xf32, #tpu.memory_space<vmem_shared>> -> memref<72x128xf32, #tpu.memory_space<vmem_shared>>
      %dma_start3A_170 = arith.constant 0 : i32
      %dma_start3A_171 = tpu.memref_slice %arg18[%add3A_14, %dma_start3A_170] : memref<10000x128xf32, #tpu.memory_space<vmem_shared>> -> memref<72x128xf32, #tpu.memory_space<vmem_shared>>
      tpu.enqueue_dma source(%arg11 : memref<72x128xf32, #tpu.memory_space<vmem>>) target(%dma_start3A_171 : memref<72x128xf32, #tpu.memory_space<vmem_shared>>) target_semaphore(%run_scoped3A : memref<!tpu.dma_semaphore, #tpu.memory_space<semaphore_mem>>)
      %dma_wait3A_172 = arith.constant 0 : i32
      %dma_wait3A_173 = tpu.memref_slice %arg18[%add3A_14, %dma_wait3A_172] : memref<10000x128xf32, #tpu.memory_space<vmem_shared>> -> memref<72x128xf32, #tpu.memory_space<vmem_shared>>
      %dma_wait3A_174 = arith.constant 0 : i32
      %dma_wait3A_175 = tpu.memref_slice %arg18[%add3A_14, %dma_wait3A_174] : memref<10000x128xf32, #tpu.memory_space<vmem_shared>> -> memref<72x128xf32, #tpu.memory_space<vmem_shared>>
      tpu.wait_dma2 semaphore(%run_scoped3A : memref<!tpu.dma_semaphore, #tpu.memory_space<semaphore_mem>>) src(%arg11 : memref<72x128xf32, #tpu.memory_space<vmem>>) dst(%dma_wait3A_175 : memref<72x128xf32, #tpu.memory_space<vmem_shared>>)
      tpu.yield
    }) : () -> ()
    %mul3A_15 = arith.constant 624 : i32
    %mul3A_16 = arith.muli %arg1, %mul3A_15 : i32
    %add3A_17 = arith.constant 216 : i32
    %add3A_18 = arith.addi %mul3A_16, %add3A_17 : i32
    "tpu.region"() ({
      %run_scoped3A = tpu.sem_alloc : memref<!tpu.dma_semaphore, #tpu.memory_space<semaphore_mem>>
      %dma_start3A_168 = arith.constant 0 : i32
      %dma_start3A_169 = tpu.memref_slice %arg18[%add3A_18, %dma_start3A_168] : memref<10000x128xf32, #tpu.memory_space<vmem_shared>> -> memref<72x128xf32, #tpu.memory_space<vmem_shared>>
      %dma_start3A_170 = arith.constant 0 : i32
      %dma_start3A_171 = tpu.memref_slice %arg18[%add3A_18, %dma_start3A_170] : memref<10000x128xf32, #tpu.memory_space<vmem_shared>> -> memref<72x128xf32, #tpu.memory_space<vmem_shared>>
      tpu.enqueue_dma source(%arg11 : memref<72x128xf32, #tpu.memory_space<vmem>>) target(%dma_start3A_171 : memref<72x128xf32, #tpu.memory_space<vmem_shared>>) target_semaphore(%run_scoped3A : memref<!tpu.dma_semaphore, #tpu.memory_space<semaphore_mem>>)
      %dma_wait3A_172 = arith.constant 0 : i32
      %dma_wait3A_173 = tpu.memref_slice %arg18[%add3A_18, %dma_wait3A_172] : memref<10000x128xf32, #tpu.memory_space<vmem_shared>> -> memref<72x128xf32, #tpu.memory_space<vmem_shared>>
      %dma_wait3A_174 = arith.constant 0 : i32
      %dma_wait3A_175 = tpu.memref_slice %arg18[%add3A_18, %dma_wait3A_174] : memref<10000x128xf32, #tpu.memory_space<vmem_shared>> -> memref<72x128xf32, #tpu.memory_space<vmem_shared>>
      tpu.wait_dma2 semaphore(%run_scoped3A : memref<!tpu.dma_semaphore, #tpu.memory_space<semaphore_mem>>) src(%arg11 : memref<72x128xf32, #tpu.memory_space<vmem>>) dst(%dma_wait3A_175 : memref<72x128xf32, #tpu.memory_space<vmem_shared>>)
      tpu.yield
    }) : () -> ()
    %mul3A_19 = arith.constant 624 : i32
    %mul3A_20 = arith.muli %arg1, %mul3A_19 : i32
    %add3A_21 = arith.constant 288 : i32
    %add3A_22 = arith.addi %mul3A_20, %add3A_21 : i32
    "tpu.region"() ({
      %run_scoped3A = tpu.sem_alloc : memref<!tpu.dma_semaphore, #tpu.memory_space<semaphore_mem>>
      %dma_start3A_168 = arith.constant 0 : i32
      %dma_start3A_169 = tpu.memref_slice %arg18[%add3A_22, %dma_start3A_168] : memref<10000x128xf32, #tpu.memory_space<vmem_shared>> -> memref<72x128xf32, #tpu.memory_space<vmem_shared>>
      %dma_start3A_170 = arith.constant 0 : i32
      %dma_start3A_171 = tpu.memref_slice %arg18[%add3A_22, %dma_start3A_170] : memref<10000x128xf32, #tpu.memory_space<vmem_shared>> -> memref<72x128xf32, #tpu.memory_space<vmem_shared>>
      tpu.enqueue_dma source(%arg11 : memref<72x128xf32, #tpu.memory_space<vmem>>) target(%dma_start3A_171 : memref<72x128xf32, #tpu.memory_space<vmem_shared>>) target_semaphore(%run_scoped3A : memref<!tpu.dma_semaphore, #tpu.memory_space<semaphore_mem>>)
      %dma_wait3A_172 = arith.constant 0 : i32
      %dma_wait3A_173 = tpu.memref_slice %arg18[%add3A_22, %dma_wait3A_172] : memref<10000x128xf32, #tpu.memory_space<vmem_shared>> -> memref<72x128xf32, #tpu.memory_space<vmem_shared>>
      %dma_wait3A_174 = arith.constant 0 : i32
      %dma_wait3A_175 = tpu.memref_slice %arg18[%add3A_22, %dma_wait3A_174] : memref<10000x128xf32, #tpu.memory_space<vmem_shared>> -> memref<72x128xf32, #tpu.memory_space<vmem_shared>>
      tpu.wait_dma2 semaphore(%run_scoped3A : memref<!tpu.dma_semaphore, #tpu.memory_space<semaphore_mem>>) src(%arg11 : memref<72x128xf32, #tpu.memory_space<vmem>>) dst(%dma_wait3A_175 : memref<72x128xf32, #tpu.memory_space<vmem_shared>>)
      tpu.yield
    }) : () -> ()
    %mul3A_23 = arith.constant 624 : i32
    %mul3A_24 = arith.muli %arg1, %mul3A_23 : i32
    %add3A_25 = arith.constant 360 : i32
    %add3A_26 = arith.addi %mul3A_24, %add3A_25 : i32
    "tpu.region"() ({
      %run_scoped3A = tpu.sem_alloc : memref<!tpu.dma_semaphore, #tpu.memory_space<semaphore_mem>>
      %dma_start3A_168 = arith.constant 0 : i32
      %dma_start3A_169 = tpu.memref_slice %arg18[%add3A_26, %dma_start3A_168] : memref<10000x128xf32, #tpu.memory_space<vmem_shared>> -> memref<72x128xf32, #tpu.memory_space<vmem_shared>>
      %dma_start3A_170 = arith.constant 0 : i32
      %dma_start3A_171 = tpu.memref_slice %arg18[%add3A_26, %dma_start3A_170] : memref<10000x128xf32, #tpu.memory_space<vmem_shared>> -> memref<72x128xf32, #tpu.memory_space<vmem_shared>>
      tpu.enqueue_dma source(%arg11 : memref<72x128xf32, #tpu.memory_space<vmem>>) target(%dma_start3A_171 : memref<72x128xf32, #tpu.memory_space<vmem_shared>>) target_semaphore(%run_scoped3A : memref<!tpu.dma_semaphore, #tpu.memory_space<semaphore_mem>>)
      %dma_wait3A_172 = arith.constant 0 : i32
      %dma_wait3A_173 = tpu.memref_slice %arg18[%add3A_26, %dma_wait3A_172] : memref<10000x128xf32, #tpu.memory_space<vmem_shared>> -> memref<72x128xf32, #tpu.memory_space<vmem_shared>>
      %dma_wait3A_174 = arith.constant 0 : i32
      %dma_wait3A_175 = tpu.memref_slice %arg18[%add3A_26, %dma_wait3A_174] : memref<10000x128xf32, #tpu.memory_space<vmem_shared>> -> memref<72x128xf32, #tpu.memory_space<vmem_shared>>
      tpu.wait_dma2 semaphore(%run_scoped3A : memref<!tpu.dma_semaphore, #tpu.memory_space<semaphore_mem>>) src(%arg11 : memref<72x128xf32, #tpu.memory_space<vmem>>) dst(%dma_wait3A_175 : memref<72x128xf32, #tpu.memory_space<vmem_shared>>)
      tpu.yield
    }) : () -> ()
    %mul3A_27 = arith.constant 624 : i32
    %mul3A_28 = arith.muli %arg1, %mul3A_27 : i32
    %add3A_29 = arith.constant 432 : i32
    %add3A_30 = arith.addi %mul3A_28, %add3A_29 : i32
    "tpu.region"() ({
      %run_scoped3A = tpu.sem_alloc : memref<!tpu.dma_semaphore, #tpu.memory_space<semaphore_mem>>
      %dma_start3A_168 = arith.constant 0 : i32
      %dma_start3A_169 = tpu.memref_slice %arg18[%add3A_30, %dma_start3A_168] : memref<10000x128xf32, #tpu.memory_space<vmem_shared>> -> memref<72x128xf32, #tpu.memory_space<vmem_shared>>
      %dma_start3A_170 = arith.constant 0 : i32
      %dma_start3A_171 = tpu.memref_slice %arg18[%add3A_30, %dma_start3A_170] : memref<10000x128xf32, #tpu.memory_space<vmem_shared>> -> memref<72x128xf32, #tpu.memory_space<vmem_shared>>
      tpu.enqueue_dma source(%arg11 : memref<72x128xf32, #tpu.memory_space<vmem>>) target(%dma_start3A_171 : memref<72x128xf32, #tpu.memory_space<vmem_shared>>) target_semaphore(%run_scoped3A : memref<!tpu.dma_semaphore, #tpu.memory_space<semaphore_mem>>)
      %dma_wait3A_172 = arith.constant 0 : i32
      %dma_wait3A_173 = tpu.memref_slice %arg18[%add3A_30, %dma_wait3A_172] : memref<10000x128xf32, #tpu.memory_space<vmem_shared>> -> memref<72x128xf32, #tpu.memory_space<vmem_shared>>
      %dma_wait3A_174 = arith.constant 0 : i32
      %dma_wait3A_175 = tpu.memref_slice %arg18[%add3A_30, %dma_wait3A_174] : memref<10000x128xf32, #tpu.memory_space<vmem_shared>> -> memref<72x128xf32, #tpu.memory_space<vmem_shared>>
      tpu.wait_dma2 semaphore(%run_scoped3A : memref<!tpu.dma_semaphore, #tpu.memory_space<semaphore_mem>>) src(%arg11 : memref<72x128xf32, #tpu.memory_space<vmem>>) dst(%dma_wait3A_175 : memref<72x128xf32, #tpu.memory_space<vmem_shared>>)
      tpu.yield
    }) : () -> ()
    %mul3A_31 = arith.constant 624 : i32
    %mul3A_32 = arith.muli %arg1, %mul3A_31 : i32
    %add3A_33 = arith.constant 504 : i32
    %add3A_34 = arith.addi %mul3A_32, %add3A_33 : i32
    "tpu.region"() ({
      %run_scoped3A = tpu.sem_alloc : memref<!tpu.dma_semaphore, #tpu.memory_space<semaphore_mem>>
      %dma_start3A_168 = arith.constant 0 : i32
      %dma_start3A_169 = tpu.memref_slice %arg18[%add3A_34, %dma_start3A_168] : memref<10000x128xf32, #tpu.memory_space<vmem_shared>> -> memref<72x128xf32, #tpu.memory_space<vmem_shared>>
      %dma_start3A_170 = arith.constant 0 : i32
      %dma_start3A_171 = tpu.memref_slice %arg18[%add3A_34, %dma_start3A_170] : memref<10000x128xf32, #tpu.memory_space<vmem_shared>> -> memref<72x128xf32, #tpu.memory_space<vmem_shared>>
      tpu.enqueue_dma source(%arg11 : memref<72x128xf32, #tpu.memory_space<vmem>>) target(%dma_start3A_171 : memref<72x128xf32, #tpu.memory_space<vmem_shared>>) target_semaphore(%run_scoped3A : memref<!tpu.dma_semaphore, #tpu.memory_space<semaphore_mem>>)
      %dma_wait3A_172 = arith.constant 0 : i32
      %dma_wait3A_173 = tpu.memref_slice %arg18[%add3A_34, %dma_wait3A_172] : memref<10000x128xf32, #tpu.memory_space<vmem_shared>> -> memref<72x128xf32, #tpu.memory_space<vmem_shared>>
      %dma_wait3A_174 = arith.constant 0 : i32
      %dma_wait3A_175 = tpu.memref_slice %arg18[%add3A_34, %dma_wait3A_174] : memref<10000x128xf32, #tpu.memory_space<vmem_shared>> -> memref<72x128xf32, #tpu.memory_space<vmem_shared>>
      tpu.wait_dma2 semaphore(%run_scoped3A : memref<!tpu.dma_semaphore, #tpu.memory_space<semaphore_mem>>) src(%arg11 : memref<72x128xf32, #tpu.memory_space<vmem>>) dst(%dma_wait3A_175 : memref<72x128xf32, #tpu.memory_space<vmem_shared>>)
      tpu.yield
    }) : () -> ()
    %mul3A_35 = arith.constant 624 : i32
    %mul3A_36 = arith.muli %arg1, %mul3A_35 : i32
    %add3A_37 = arith.constant 576 : i32
    %add3A_38 = arith.addi %mul3A_36, %add3A_37 : i32
    "tpu.region"() ({
      %run_scoped3A = tpu.sem_alloc : memref<!tpu.dma_semaphore, #tpu.memory_space<semaphore_mem>>
      %dma_start3A_168 = arith.constant 0 : i32
      %dma_start3A_169 = arith.constant 0 : i32
      %dma_start3A_170 = tpu.memref_slice %arg11[%dma_start3A_168, %dma_start3A_169] : memref<72x128xf32, #tpu.memory_space<vmem>> -> memref<48x128xf32, #tpu.memory_space<vmem>>
      %dma_start3A_171 = arith.constant 0 : i32
      %dma_start3A_172 = tpu.memref_slice %arg18[%add3A_38, %dma_start3A_171] : memref<10000x128xf32, #tpu.memory_space<vmem_shared>> -> memref<48x128xf32, #tpu.memory_space<vmem_shared>>
      %dma_start3A_173 = arith.constant 0 : i32
      %dma_start3A_174 = tpu.memref_slice %arg18[%add3A_38, %dma_start3A_173] : memref<10000x128xf32, #tpu.memory_space<vmem_shared>> -> memref<48x128xf32, #tpu.memory_space<vmem_shared>>
      %dma_start3A_175 = arith.constant 0 : i32
      %dma_start3A_176 = arith.constant 0 : i32
      %dma_start3A_177 = tpu.memref_slice %arg11[%dma_start3A_175, %dma_start3A_176] : memref<72x128xf32, #tpu.memory_space<vmem>> -> memref<48x128xf32, #tpu.memory_space<vmem>>
      tpu.enqueue_dma source(%dma_start3A_177 : memref<48x128xf32, #tpu.memory_space<vmem>>) target(%dma_start3A_174 : memref<48x128xf32, #tpu.memory_space<vmem_shared>>) target_semaphore(%run_scoped3A : memref<!tpu.dma_semaphore, #tpu.memory_space<semaphore_mem>>)
      %dma_wait3A_178 = arith.constant 0 : i32
      %dma_wait3A_179 = arith.constant 0 : i32
      %dma_wait3A_180 = tpu.memref_slice %arg11[%dma_wait3A_178, %dma_wait3A_179] : memref<72x128xf32, #tpu.memory_space<vmem>> -> memref<48x128xf32, #tpu.memory_space<vmem>>
      %dma_wait3A_181 = arith.constant 0 : i32
      %dma_wait3A_182 = tpu.memref_slice %arg18[%add3A_38, %dma_wait3A_181] : memref<10000x128xf32, #tpu.memory_space<vmem_shared>> -> memref<48x128xf32, #tpu.memory_space<vmem_shared>>
      %dma_wait3A_183 = arith.constant 0 : i32
      %dma_wait3A_184 = tpu.memref_slice %arg18[%add3A_38, %dma_wait3A_183] : memref<10000x128xf32, #tpu.memory_space<vmem_shared>> -> memref<48x128xf32, #tpu.memory_space<vmem_shared>>
      %dma_wait3A_185 = arith.constant 0 : i32
      %dma_wait3A_186 = arith.constant 0 : i32
      %dma_wait3A_187 = tpu.memref_slice %arg11[%dma_wait3A_185, %dma_wait3A_186] : memref<72x128xf32, #tpu.memory_space<vmem>> -> memref<48x128xf32, #tpu.memory_space<vmem>>
      tpu.wait_dma2 semaphore(%run_scoped3A : memref<!tpu.dma_semaphore, #tpu.memory_space<semaphore_mem>>) src(%dma_wait3A_187 : memref<48x128xf32, #tpu.memory_space<vmem>>) dst(%dma_wait3A_184 : memref<48x128xf32, #tpu.memory_space<vmem_shared>>)
      tpu.yield
    }) : () -> ()
    %eq3A = arith.constant 0 : i32
    %eq3A_39 = arith.cmpi eq, %arg1, %eq3A : i32
    %convert_element_type3A = arith.extui %eq3A_39 : i1 to i32
    %cond3A = arith.constant 0 : i32
    %cond3A_40 = arith.cmpi ne, %convert_element_type3A, %cond3A : i32
    scf.if %cond3A_40 {
      "tpu.region"() ({
        %run_scoped3A = tpu.sem_alloc : memref<!tpu.dma_semaphore, #tpu.memory_space<semaphore_mem>>
        %dma_start3A_168 = arith.constant 0 : i32
        %dma_start3A_169 = arith.constant 0 : i32
        %dma_start3A_170 = tpu.memref_slice %arg11[%dma_start3A_168, %dma_start3A_169] : memref<72x128xf32, #tpu.memory_space<vmem>> -> memref<16x128xf32, #tpu.memory_space<vmem>>
        %dma_start3A_171 = arith.constant 9984 : i32
        %dma_start3A_172 = arith.constant 0 : i32
        %dma_start3A_173 = tpu.memref_slice %arg18[%dma_start3A_171, %dma_start3A_172] : memref<10000x128xf32, #tpu.memory_space<vmem_shared>> -> memref<16x128xf32, #tpu.memory_space<vmem_shared>>
        %dma_start3A_174 = arith.constant 9984 : i32
        %dma_start3A_175 = arith.constant 0 : i32
        %dma_start3A_176 = tpu.memref_slice %arg18[%dma_start3A_174, %dma_start3A_175] : memref<10000x128xf32, #tpu.memory_space<vmem_shared>> -> memref<16x128xf32, #tpu.memory_space<vmem_shared>>
        %dma_start3A_177 = arith.constant 0 : i32
        %dma_start3A_178 = arith.constant 0 : i32
        %dma_start3A_179 = tpu.memref_slice %arg11[%dma_start3A_177, %dma_start3A_178] : memref<72x128xf32, #tpu.memory_space<vmem>> -> memref<16x128xf32, #tpu.memory_space<vmem>>
        tpu.enqueue_dma source(%dma_start3A_179 : memref<16x128xf32, #tpu.memory_space<vmem>>) target(%dma_start3A_176 : memref<16x128xf32, #tpu.memory_space<vmem_shared>>) target_semaphore(%run_scoped3A : memref<!tpu.dma_semaphore, #tpu.memory_space<semaphore_mem>>)
        %dma_wait3A_180 = arith.constant 0 : i32
        %dma_wait3A_181 = arith.constant 0 : i32
        %dma_wait3A_182 = tpu.memref_slice %arg11[%dma_wait3A_180, %dma_wait3A_181] : memref<72x128xf32, #tpu.memory_space<vmem>> -> memref<16x128xf32, #tpu.memory_space<vmem>>
        %dma_wait3A_183 = arith.constant 9984 : i32
        %dma_wait3A_184 = arith.constant 0 : i32
        %dma_wait3A_185 = tpu.memref_slice %arg18[%dma_wait3A_183, %dma_wait3A_184] : memref<10000x128xf32, #tpu.memory_space<vmem_shared>> -> memref<16x128xf32, #tpu.memory_space<vmem_shared>>
        %dma_wait3A_186 = arith.constant 9984 : i32
        %dma_wait3A_187 = arith.constant 0 : i32
        %dma_wait3A_188 = tpu.memref_slice %arg18[%dma_wait3A_186, %dma_wait3A_187] : memref<10000x128xf32, #tpu.memory_space<vmem_shared>> -> memref<16x128xf32, #tpu.memory_space<vmem_shared>>
        %dma_wait3A_189 = arith.constant 0 : i32
        %dma_wait3A_190 = arith.constant 0 : i32
        %dma_wait3A_191 = tpu.memref_slice %arg11[%dma_wait3A_189, %dma_wait3A_190] : memref<72x128xf32, #tpu.memory_space<vmem>> -> memref<16x128xf32, #tpu.memory_space<vmem>>
        tpu.wait_dma2 semaphore(%run_scoped3A : memref<!tpu.dma_semaphore, #tpu.memory_space<semaphore_mem>>) src(%dma_wait3A_191 : memref<16x128xf32, #tpu.memory_space<vmem>>) dst(%dma_wait3A_188 : memref<16x128xf32, #tpu.memory_space<vmem_shared>>)
        tpu.yield
      }) : () -> ()
    } else {
    }
    %barrier3A = arith.constant 0 : index
    tpu.barrier barrier_id(%barrier3A)
    %mul3A_41 = arith.constant 16 : i32
    %mul3A_42 = arith.muli %arg0, %mul3A_41 : i32
    %add3A_43 = arith.addi %mul3A_42, %arg1 : i32
    %mul3A_44 = arith.constant 10000 : i32
    %mul3A_45 = arith.muli %add3A_43, %mul3A_44 : i32
    %broadcast_in_dim3A = arith.constant -65536 : i32
    %broadcast_in_dim3A_46 = vector.broadcast %broadcast_in_dim3A : i32 to vector<16xi32>
    %min3A = arith.constant 0 : i32
    %min3A_47 = arith.constant 137 : i32
    %min3A_48 = arith.minsi %min3A, %min3A_47 : i32
    %add3A_49 = arith.constant 0 : i32
    %add3A_50 = arith.addi %add3A_49, %mul3A_45 : i32
    %mul3A_51 = arith.constant 72 : i32
    %mul3A_52 = arith.muli %min3A_48, %mul3A_51 : i32
    %add3A_53 = arith.addi %add3A_50, %mul3A_52 : i32
    %dma_start3A = tpu.memref_slice %arg4[%add3A_53] : memref<320000xi32, #tpu.memory_space<hbm>> -> memref<72xi32, #tpu.memory_space<hbm>>
    %dma_start3A_54 = tpu.memref_slice %arg4[%add3A_53] : memref<320000xi32, #tpu.memory_space<hbm>> -> memref<72xi32, #tpu.memory_space<hbm>>
    tpu.enqueue_dma source(%dma_start3A_54 : memref<72xi32, #tpu.memory_space<hbm>>) target(%arg12 : memref<72xi32, #tpu.memory_space<vmem>>) target_semaphore(%arg23 : memref<!tpu.dma_semaphore, #tpu.memory_space<semaphore_mem>>)
    %min3A_55 = arith.constant 0 : i32
    %min3A_56 = arith.constant 137 : i32
    %min3A_57 = arith.minsi %min3A_55, %min3A_56 : i32
    %add3A_58 = arith.constant 0 : i32
    %add3A_59 = arith.addi %add3A_58, %mul3A_45 : i32
    %mul3A_60 = arith.constant 72 : i32
    %mul3A_61 = arith.muli %min3A_57, %mul3A_60 : i32
    %add3A_62 = arith.addi %add3A_59, %mul3A_61 : i32
    %dma_start3A_63 = tpu.memref_slice %arg5[%add3A_62] : memref<320000xi32, #tpu.memory_space<hbm>> -> memref<72xi32, #tpu.memory_space<hbm>>
    %dma_start3A_64 = tpu.memref_slice %arg5[%add3A_62] : memref<320000xi32, #tpu.memory_space<hbm>> -> memref<72xi32, #tpu.memory_space<hbm>>
    tpu.enqueue_dma source(%dma_start3A_64 : memref<72xi32, #tpu.memory_space<hbm>>) target(%arg14 : memref<72xi32, #tpu.memory_space<vmem>>) target_semaphore(%arg25 : memref<!tpu.dma_semaphore, #tpu.memory_space<semaphore_mem>>)
    %min3A_65 = arith.constant 1 : i32
    %min3A_66 = arith.constant 137 : i32
    %min3A_67 = arith.minsi %min3A_65, %min3A_66 : i32
    %add3A_68 = arith.constant 0 : i32
    %add3A_69 = arith.addi %add3A_68, %mul3A_45 : i32
    %mul3A_70 = arith.constant 72 : i32
    %mul3A_71 = arith.muli %min3A_67, %mul3A_70 : i32
    %add3A_72 = arith.addi %add3A_69, %mul3A_71 : i32
    %dma_start3A_73 = tpu.memref_slice %arg4[%add3A_72] : memref<320000xi32, #tpu.memory_space<hbm>> -> memref<72xi32, #tpu.memory_space<hbm>>
    %dma_start3A_74 = tpu.memref_slice %arg4[%add3A_72] : memref<320000xi32, #tpu.memory_space<hbm>> -> memref<72xi32, #tpu.memory_space<hbm>>
    tpu.enqueue_dma source(%dma_start3A_74 : memref<72xi32, #tpu.memory_space<hbm>>) target(%arg13 : memref<72xi32, #tpu.memory_space<vmem>>) target_semaphore(%arg24 : memref<!tpu.dma_semaphore, #tpu.memory_space<semaphore_mem>>)
    %min3A_75 = arith.constant 0 : i32
    %min3A_76 = arith.constant 137 : i32
    %min3A_77 = arith.minsi %min3A_75, %min3A_76 : i32
    %add3A_78 = arith.constant 0 : i32
    %add3A_79 = arith.addi %add3A_78, %mul3A_45 : i32
    %mul3A_80 = arith.constant 72 : i32
    %mul3A_81 = arith.muli %min3A_77, %mul3A_80 : i32
    %add3A_82 = arith.addi %add3A_79, %mul3A_81 : i32
    %dma_wait3A = tpu.memref_slice %arg4[%add3A_82] : memref<320000xi32, #tpu.memory_space<hbm>> -> memref<72xi32, #tpu.memory_space<hbm>>
    %dma_wait3A_83 = tpu.memref_slice %arg4[%add3A_82] : memref<320000xi32, #tpu.memory_space<hbm>> -> memref<72xi32, #tpu.memory_space<hbm>>
    tpu.wait_dma2 semaphore(%arg23 : memref<!tpu.dma_semaphore, #tpu.memory_space<semaphore_mem>>) src(%dma_wait3A_83 : memref<72xi32, #tpu.memory_space<hbm>>) dst(%arg12 : memref<72xi32, #tpu.memory_space<vmem>>)
    %min3A_84 = arith.constant 0 : i32
    %min3A_85 = arith.constant 137 : i32
    %min3A_86 = arith.minsi %min3A_84, %min3A_85 : i32
    %mul3A_87 = arith.constant 72 : i32
    %mul3A_88 = arith.muli %min3A_86, %mul3A_87 : i32
    %add3A_89 = arith.addi %mul3A_45, %mul3A_88 : i32
    %dma_start3A_90 = arith.constant 0 : i32
    %dma_start3A_91 = tpu.memref_slice %arg2[%add3A_89, %dma_start3A_90] : memref<320000x64xi32, #tpu.memory_space<hbm>> -> memref<72x64xi32, #tpu.memory_space<hbm>>
    %dma_start3A_92 = arith.constant 0 : i32
    %dma_start3A_93 = tpu.memref_slice %arg2[%add3A_89, %dma_start3A_92] : memref<320000x64xi32, #tpu.memory_space<hbm>> -> memref<72x64xi32, #tpu.memory_space<hbm>>
    tpu.enqueue_dma source(%dma_start3A_93 : memref<72x64xi32, #tpu.memory_space<hbm>>) target(%arg7 : memref<72x64xi32, #tpu.memory_space<vmem>>) target_semaphore(%arg19 : memref<!tpu.dma_semaphore, #tpu.memory_space<semaphore_mem>>)
    %dma_start3A_94 = arith.constant 0 : i32
    %dma_start3A_95 = arith.constant 0 : i32
    %dma_start3A_96 = tpu.memref_slice %arg3[%dma_start3A_94, %dma_start3A_95] : memref<10000x128xf32, #tpu.memory_space<hbm>> -> memref<10000x128xf32, #tpu.memory_space<hbm>>
    tpu.enqueue_indirect_dma source(%dma_start3A_96 : memref<10000x128xf32, #tpu.memory_space<hbm>>) target(%arg9 : memref<72x128xf32, #tpu.memory_space<vmem>>) offsets(%arg12 : memref<72xi32, #tpu.memory_space<vmem>>) semaphore(%arg21 : memref<!tpu.dma_semaphore, #tpu.memory_space<semaphore_mem>>)
    %scan3A_97 = arith.constant 0 : i32
    %scan3A_98 = arith.constant 0 : i32
    %scan3A_99 = arith.constant 69 : i32
    %scan3A_100 = arith.addi %scan3A_98, %scan3A_99 : i32
    %scan3A_101 = arith.constant 1 : i32
    scf.for %scan3A_168 = %scan3A_98 to %scan3A_100 step %scan3A_101  : i32 {
      %mul3A_169 = arith.constant 2 : i32
      %mul3A_170 = arith.muli %mul3A_169, %scan3A_168 : i32
      %add3A_171 = arith.constant 1 : i32
      %add3A_172 = arith.addi %mul3A_170, %add3A_171 : i32
      %min3A_173 = arith.constant 137 : i32
      %min3A_174 = arith.minsi %add3A_172, %min3A_173 : i32
      %add3A_175 = arith.constant 0 : i32
      %add3A_176 = arith.addi %add3A_175, %mul3A_45 : i32
      %mul3A_177 = arith.constant 72 : i32
      %mul3A_178 = arith.muli %min3A_174, %mul3A_177 : i32
      %add3A_179 = arith.addi %add3A_176, %mul3A_178 : i32
      %dma_wait3A_180 = tpu.memref_slice %arg4[%add3A_179] : memref<320000xi32, #tpu.memory_space<hbm>> -> memref<72xi32, #tpu.memory_space<hbm>>
      %dma_wait3A_181 = tpu.memref_slice %arg4[%add3A_179] : memref<320000xi32, #tpu.memory_space<hbm>> -> memref<72xi32, #tpu.memory_space<hbm>>
      tpu.wait_dma2 semaphore(%arg24 : memref<!tpu.dma_semaphore, #tpu.memory_space<semaphore_mem>>) src(%dma_wait3A_181 : memref<72xi32, #tpu.memory_space<hbm>>) dst(%arg13 : memref<72xi32, #tpu.memory_space<vmem>>)
      %add3A_182 = arith.constant 1 : i32
      %add3A_183 = arith.addi %mul3A_170, %add3A_182 : i32
      %min3A_184 = arith.constant 137 : i32
      %min3A_185 = arith.minsi %add3A_183, %min3A_184 : i32
      %mul3A_186 = arith.constant 72 : i32
      %mul3A_187 = arith.muli %min3A_185, %mul3A_186 : i32
      %add3A_188 = arith.addi %mul3A_45, %mul3A_187 : i32
      %dma_start3A_189 = arith.constant 0 : i32
      %dma_start3A_190 = tpu.memref_slice %arg2[%add3A_188, %dma_start3A_189] : memref<320000x64xi32, #tpu.memory_space<hbm>> -> memref<72x64xi32, #tpu.memory_space<hbm>>
      %dma_start3A_191 = arith.constant 0 : i32
      %dma_start3A_192 = tpu.memref_slice %arg2[%add3A_188, %dma_start3A_191] : memref<320000x64xi32, #tpu.memory_space<hbm>> -> memref<72x64xi32, #tpu.memory_space<hbm>>
      tpu.enqueue_dma source(%dma_start3A_192 : memref<72x64xi32, #tpu.memory_space<hbm>>) target(%arg8 : memref<72x64xi32, #tpu.memory_space<vmem>>) target_semaphore(%arg20 : memref<!tpu.dma_semaphore, #tpu.memory_space<semaphore_mem>>)
      %dma_start3A_193 = arith.constant 0 : i32
      %dma_start3A_194 = arith.constant 0 : i32
      %dma_start3A_195 = tpu.memref_slice %arg3[%dma_start3A_193, %dma_start3A_194] : memref<10000x128xf32, #tpu.memory_space<hbm>> -> memref<10000x128xf32, #tpu.memory_space<hbm>>
      tpu.enqueue_indirect_dma source(%dma_start3A_195 : memref<10000x128xf32, #tpu.memory_space<hbm>>) target(%arg10 : memref<72x128xf32, #tpu.memory_space<vmem>>) offsets(%arg13 : memref<72xi32, #tpu.memory_space<vmem>>) semaphore(%arg22 : memref<!tpu.dma_semaphore, #tpu.memory_space<semaphore_mem>>)
      %min3A_196 = arith.constant 137 : i32
      %min3A_197 = arith.minsi %mul3A_170, %min3A_196 : i32
      %mul3A_198 = arith.constant 72 : i32
      %mul3A_199 = arith.muli %min3A_197, %mul3A_198 : i32
      %add3A_200 = arith.addi %mul3A_45, %mul3A_199 : i32
      %dma_wait3A_201 = arith.constant 0 : i32
      %dma_wait3A_202 = tpu.memref_slice %arg2[%add3A_200, %dma_wait3A_201] : memref<320000x64xi32, #tpu.memory_space<hbm>> -> memref<72x64xi32, #tpu.memory_space<hbm>>
      %dma_wait3A_203 = arith.constant 0 : i32
      %dma_wait3A_204 = tpu.memref_slice %arg2[%add3A_200, %dma_wait3A_203] : memref<320000x64xi32, #tpu.memory_space<hbm>> -> memref<72x64xi32, #tpu.memory_space<hbm>>
      tpu.wait_dma2 semaphore(%arg19 : memref<!tpu.dma_semaphore, #tpu.memory_space<semaphore_mem>>) src(%dma_wait3A_204 : memref<72x64xi32, #tpu.memory_space<hbm>>) dst(%arg7 : memref<72x64xi32, #tpu.memory_space<vmem>>)
      %dma_wait3A_205 = arith.constant 0 : i32
      %dma_wait3A_206 = arith.constant 0 : i32
      %dma_wait3A_207 = tpu.memref_slice %arg3[%dma_wait3A_205, %dma_wait3A_206] : memref<10000x128xf32, #tpu.memory_space<hbm>> -> memref<10000x128xf32, #tpu.memory_space<hbm>>
      tpu.wait_indirect_dma semaphore(%arg21 : memref<!tpu.dma_semaphore, #tpu.memory_space<semaphore_mem>>) src(%dma_wait3A_207 : memref<10000x128xf32, #tpu.memory_space<hbm>>) dst(%arg9 : memref<72x128xf32, #tpu.memory_space<vmem>>)
      %add3A_208 = arith.constant 2 : i32
      %add3A_209 = arith.addi %mul3A_170, %add3A_208 : i32
      %min3A_210 = arith.constant 137 : i32
      %min3A_211 = arith.minsi %add3A_209, %min3A_210 : i32
      %add3A_212 = arith.constant 0 : i32
      %add3A_213 = arith.addi %add3A_212, %mul3A_45 : i32
      %mul3A_214 = arith.constant 72 : i32
      %mul3A_215 = arith.muli %min3A_211, %mul3A_214 : i32
      %add3A_216 = arith.addi %add3A_213, %mul3A_215 : i32
      %dma_start3A_217 = tpu.memref_slice %arg4[%add3A_216] : memref<320000xi32, #tpu.memory_space<hbm>> -> memref<72xi32, #tpu.memory_space<hbm>>
      %dma_start3A_218 = tpu.memref_slice %arg4[%add3A_216] : memref<320000xi32, #tpu.memory_space<hbm>> -> memref<72xi32, #tpu.memory_space<hbm>>
      tpu.enqueue_dma source(%dma_start3A_218 : memref<72xi32, #tpu.memory_space<hbm>>) target(%arg12 : memref<72xi32, #tpu.memory_space<vmem>>) target_semaphore(%arg23 : memref<!tpu.dma_semaphore, #tpu.memory_space<semaphore_mem>>)
      %add3A_219 = arith.constant 1 : i32
      %add3A_220 = arith.addi %mul3A_170, %add3A_219 : i32
      %min3A_221 = arith.constant 137 : i32
      %min3A_222 = arith.minsi %add3A_220, %min3A_221 : i32
      %add3A_223 = arith.constant 0 : i32
      %add3A_224 = arith.addi %add3A_223, %mul3A_45 : i32
      %mul3A_225 = arith.constant 72 : i32
      %mul3A_226 = arith.muli %min3A_222, %mul3A_225 : i32
      %add3A_227 = arith.addi %add3A_224, %mul3A_226 : i32
      %dma_start3A_228 = tpu.memref_slice %arg5[%add3A_227] : memref<320000xi32, #tpu.memory_space<hbm>> -> memref<72xi32, #tpu.memory_space<hbm>>
      %dma_start3A_229 = tpu.memref_slice %arg5[%add3A_227] : memref<320000xi32, #tpu.memory_space<hbm>> -> memref<72xi32, #tpu.memory_space<hbm>>
      tpu.enqueue_dma source(%dma_start3A_229 : memref<72xi32, #tpu.memory_space<hbm>>) target(%arg15 : memref<72xi32, #tpu.memory_space<vmem>>) target_semaphore(%arg26 : memref<!tpu.dma_semaphore, #tpu.memory_space<semaphore_mem>>)
      %scan3A_230 = arith.constant 0 : i32
      %scan3A_231 = arith.constant 0 : i32
      %scan3A_232 = arith.constant 72 : i32
      %scan3A_233 = arith.addi %scan3A_231, %scan3A_232 : i32
      %scan3A_234 = arith.constant 1 : i32
      scf.for %scan3A_323 = %scan3A_231 to %scan3A_233 step %scan3A_234  : i32 {
        %get3A = arith.index_cast %scan3A_323 : i32 to index
        %get3A_324 = arith.constant 0 : index
        %get3A_325 = tpu.vector_load %arg7[%get3A, %get3A_324] {strides = array<i32>} : memref<72x64xi32, #tpu.memory_space<vmem>>, vector<1x16xi32>,
        %get3A_326 = vector.shape_cast %get3A_325 : vector<1x16xi32> to vector<16xi32>
        %shift_left3A = arith.constant 16 : i32
        %shift_left3A_327 = vector.broadcast %shift_left3A : i32 to vector<16xi32>
        %shift_left3A_328 = arith.shli %get3A_326, %shift_left3A_327 : vector<16xi32>
        %bitcast_convert_type3A = tpu.bitcast %shift_left3A_328 : vector<16xi32> -> vector<16xf32>
        %and3A = arith.andi %get3A_326, %broadcast_in_dim3A_46 : vector<16xi32>
        %bitcast_convert_type3A_329 = tpu.bitcast %and3A : vector<16xi32> -> vector<16xf32>
        %get3A_330 = arith.index_cast %scan3A_323 : i32 to index
        %get3A_331 = arith.constant 0 : index
        %get3A_332 = tpu.vector_load %arg9[%get3A_330, %get3A_331] {strides = array<i32>} : memref<72x128xf32, #tpu.memory_space<vmem>>, vector<1x16xf32>,
        %get3A_333 = vector.shape_cast %get3A_332 : vector<1x16xf32> to vector<16xf32>
        %get3A_334 = arith.index_cast %scan3A_323 : i32 to index
        %get3A_335 = arith.constant 64 : index
        %get3A_336 = tpu.vector_load %arg9[%get3A_334, %get3A_335] {strides = array<i32>} : memref<72x128xf32, #tpu.memory_space<vmem>>, vector<1x16xf32>,
        %get3A_337 = vector.shape_cast %get3A_336 : vector<1x16xf32> to vector<16xf32>
        %mul3A_338 = arith.mulf %bitcast_convert_type3A, %get3A_333 : vector<16xf32>
        %swap3A = arith.index_cast %scan3A_323 : i32 to index
        %swap3A_339 = arith.constant 0 : index
        %swap3A_340 = tpu.vector_load %arg11[%swap3A, %swap3A_339] {strides = array<i32>} : memref<72x128xf32, #tpu.memory_space<vmem>>, vector<1x16xf32>,
        %swap3A_341 = vector.shape_cast %swap3A_340 : vector<1x16xf32> to vector<16xf32>
        %swap3A_342 = vector.shape_cast %mul3A_338 : vector<16xf32> to vector<1x16xf32>
        tpu.vector_store %arg11[%swap3A, %swap3A_339], %swap3A_342 {strides = array<i32>} : memref<72x128xf32, #tpu.memory_space<vmem>>, vector<1x16xf32>,
        %mul3A_343 = arith.mulf %bitcast_convert_type3A_329, %get3A_337 : vector<16xf32>
        %swap3A_344 = arith.index_cast %scan3A_323 : i32 to index
        %swap3A_345 = arith.constant 64 : index
        %swap3A_346 = tpu.vector_load %arg11[%swap3A_344, %swap3A_345] {strides = array<i32>} : memref<72x128xf32, #tpu.memory_space<vmem>>, vector<1x16xf32>,
        %swap3A_347 = vector.shape_cast %swap3A_346 : vector<1x16xf32> to vector<16xf32>
        %swap3A_348 = vector.shape_cast %mul3A_343 : vector<16xf32> to vector<1x16xf32>
        tpu.vector_store %arg11[%swap3A_344, %swap3A_345], %swap3A_348 {strides = array<i32>} : memref<72x128xf32, #tpu.memory_space<vmem>>, vector<1x16xf32>,
        %get3A_349 = arith.index_cast %scan3A_323 : i32 to index
        %get3A_350 = arith.constant 16 : index
        %get3A_351 = tpu.vector_load %arg7[%get3A_349, %get3A_350] {strides = array<i32>} : memref<72x64xi32, #tpu.memory_space<vmem>>, vector<1x16xi32>,
        %get3A_352 = vector.shape_cast %get3A_351 : vector<1x16xi32> to vector<16xi32>
        %shift_left3A_353 = arith.constant 16 : i32
        %shift_left3A_354 = vector.broadcast %shift_left3A_353 : i32 to vector<16xi32>
        %shift_left3A_355 = arith.shli %get3A_352, %shift_left3A_354 : vector<16xi32>
        %bitcast_convert_type3A_356 = tpu.bitcast %shift_left3A_355 : vector<16xi32> -> vector<16xf32>
        %and3A_357 = arith.andi %get3A_352, %broadcast_in_dim3A_46 : vector<16xi32>
        %bitcast_convert_type3A_358 = tpu.bitcast %and3A_357 : vector<16xi32> -> vector<16xf32>
        %get3A_359 = arith.index_cast %scan3A_323 : i32 to index
        %get3A_360 = arith.constant 16 : index
        %get3A_361 = tpu.vector_load %arg9[%get3A_359, %get3A_360] {strides = array<i32>} : memref<72x128xf32, #tpu.memory_space<vmem>>, vector<1x16xf32>,
        %get3A_362 = vector.shape_cast %get3A_361 : vector<1x16xf32> to vector<16xf32>
        %get3A_363 = arith.index_cast %scan3A_323 : i32 to index
        %get3A_364 = arith.constant 80 : index
        %get3A_365 = tpu.vector_load %arg9[%get3A_363, %get3A_364] {strides = array<i32>} : memref<72x128xf32, #tpu.memory_space<vmem>>, vector<1x16xf32>,
        %get3A_366 = vector.shape_cast %get3A_365 : vector<1x16xf32> to vector<16xf32>
        %mul3A_367 = arith.mulf %bitcast_convert_type3A_356, %get3A_362 : vector<16xf32>
        %swap3A_368 = arith.index_cast %scan3A_323 : i32 to index
        %swap3A_369 = arith.constant 16 : index
        %swap3A_370 = tpu.vector_load %arg11[%swap3A_368, %swap3A_369] {strides = array<i32>} : memref<72x128xf32, #tpu.memory_space<vmem>>, vector<1x16xf32>,
        %swap3A_371 = vector.shape_cast %swap3A_370 : vector<1x16xf32> to vector<16xf32>
        %swap3A_372 = vector.shape_cast %mul3A_367 : vector<16xf32> to vector<1x16xf32>
        tpu.vector_store %arg11[%swap3A_368, %swap3A_369], %swap3A_372 {strides = array<i32>} : memref<72x128xf32, #tpu.memory_space<vmem>>, vector<1x16xf32>,
        %mul3A_373 = arith.mulf %bitcast_convert_type3A_358, %get3A_366 : vector<16xf32>
        %swap3A_374 = arith.index_cast %scan3A_323 : i32 to index
        %swap3A_375 = arith.constant 80 : index
        %swap3A_376 = tpu.vector_load %arg11[%swap3A_374, %swap3A_375] {strides = array<i32>} : memref<72x128xf32, #tpu.memory_space<vmem>>, vector<1x16xf32>,
        %swap3A_377 = vector.shape_cast %swap3A_376 : vector<1x16xf32> to vector<16xf32>
        %swap3A_378 = vector.shape_cast %mul3A_373 : vector<16xf32> to vector<1x16xf32>
        tpu.vector_store %arg11[%swap3A_374, %swap3A_375], %swap3A_378 {strides = array<i32>} : memref<72x128xf32, #tpu.memory_space<vmem>>, vector<1x16xf32>,
        %get3A_379 = arith.index_cast %scan3A_323 : i32 to index
        %get3A_380 = arith.constant 32 : index
        %get3A_381 = tpu.vector_load %arg7[%get3A_379, %get3A_380] {strides = array<i32>} : memref<72x64xi32, #tpu.memory_space<vmem>>, vector<1x16xi32>,
        %get3A_382 = vector.shape_cast %get3A_381 : vector<1x16xi32> to vector<16xi32>
        %shift_left3A_383 = arith.constant 16 : i32
        %shift_left3A_384 = vector.broadcast %shift_left3A_383 : i32 to vector<16xi32>
        %shift_left3A_385 = arith.shli %get3A_382, %shift_left3A_384 : vector<16xi32>
        %bitcast_convert_type3A_386 = tpu.bitcast %shift_left3A_385 : vector<16xi32> -> vector<16xf32>
        %and3A_387 = arith.andi %get3A_382, %broadcast_in_dim3A_46 : vector<16xi32>
        %bitcast_convert_type3A_388 = tpu.bitcast %and3A_387 : vector<16xi32> -> vector<16xf32>
        %get3A_389 = arith.index_cast %scan3A_323 : i32 to index
        %get3A_390 = arith.constant 32 : index
        %get3A_391 = tpu.vector_load %arg9[%get3A_389, %get3A_390] {strides = array<i32>} : memref<72x128xf32, #tpu.memory_space<vmem>>, vector<1x16xf32>,
        %get3A_392 = vector.shape_cast %get3A_391 : vector<1x16xf32> to vector<16xf32>
        %get3A_393 = arith.index_cast %scan3A_323 : i32 to index
        %get3A_394 = arith.constant 96 : index
        %get3A_395 = tpu.vector_load %arg9[%get3A_393, %get3A_394] {strides = array<i32>} : memref<72x128xf32, #tpu.memory_space<vmem>>, vector<1x16xf32>,
        %get3A_396 = vector.shape_cast %get3A_395 : vector<1x16xf32> to vector<16xf32>
        %mul3A_397 = arith.mulf %bitcast_convert_type3A_386, %get3A_392 : vector<16xf32>
        %swap3A_398 = arith.index_cast %scan3A_323 : i32 to index
        %swap3A_399 = arith.constant 32 : index
        %swap3A_400 = tpu.vector_load %arg11[%swap3A_398, %swap3A_399] {strides = array<i32>} : memref<72x128xf32, #tpu.memory_space<vmem>>, vector<1x16xf32>,
        %swap3A_401 = vector.shape_cast %swap3A_400 : vector<1x16xf32> to vector<16xf32>
        %swap3A_402 = vector.shape_cast %mul3A_397 : vector<16xf32> to vector<1x16xf32>
        tpu.vector_store %arg11[%swap3A_398, %swap3A_399], %swap3A_402 {strides = array<i32>} : memref<72x128xf32, #tpu.memory_space<vmem>>, vector<1x16xf32>,
        %mul3A_403 = arith.mulf %bitcast_convert_type3A_388, %get3A_396 : vector<16xf32>
        %swap3A_404 = arith.index_cast %scan3A_323 : i32 to index
        %swap3A_405 = arith.constant 96 : index
        %swap3A_406 = tpu.vector_load %arg11[%swap3A_404, %swap3A_405] {strides = array<i32>} : memref<72x128xf32, #tpu.memory_space<vmem>>, vector<1x16xf32>,
        %swap3A_407 = vector.shape_cast %swap3A_406 : vector<1x16xf32> to vector<16xf32>
        %swap3A_408 = vector.shape_cast %mul3A_403 : vector<16xf32> to vector<1x16xf32>
        tpu.vector_store %arg11[%swap3A_404, %swap3A_405], %swap3A_408 {strides = array<i32>} : memref<72x128xf32, #tpu.memory_space<vmem>>, vector<1x16xf32>,
        %get3A_409 = arith.index_cast %scan3A_323 : i32 to index
        %get3A_410 = arith.constant 48 : index
        %get3A_411 = tpu.vector_load %arg7[%get3A_409, %get3A_410] {strides = array<i32>} : memref<72x64xi32, #tpu.memory_space<vmem>>, vector<1x16xi32>,
        %get3A_412 = vector.shape_cast %get3A_411 : vector<1x16xi32> to vector<16xi32>
        %shift_left3A_413 = arith.constant 16 : i32
        %shift_left3A_414 = vector.broadcast %shift_left3A_413 : i32 to vector<16xi32>
        %shift_left3A_415 = arith.shli %get3A_412, %shift_left3A_414 : vector<16xi32>
        %bitcast_convert_type3A_416 = tpu.bitcast %shift_left3A_415 : vector<16xi32> -> vector<16xf32>
        %and3A_417 = arith.andi %get3A_412, %broadcast_in_dim3A_46 : vector<16xi32>
        %bitcast_convert_type3A_418 = tpu.bitcast %and3A_417 : vector<16xi32> -> vector<16xf32>
        %get3A_419 = arith.index_cast %scan3A_323 : i32 to index
        %get3A_420 = arith.constant 48 : index
        %get3A_421 = tpu.vector_load %arg9[%get3A_419, %get3A_420] {strides = array<i32>} : memref<72x128xf32, #tpu.memory_space<vmem>>, vector<1x16xf32>,
        %get3A_422 = vector.shape_cast %get3A_421 : vector<1x16xf32> to vector<16xf32>
        %get3A_423 = arith.index_cast %scan3A_323 : i32 to index
        %get3A_424 = arith.constant 112 : index
        %get3A_425 = tpu.vector_load %arg9[%get3A_423, %get3A_424] {strides = array<i32>} : memref<72x128xf32, #tpu.memory_space<vmem>>, vector<1x16xf32>,
        %get3A_426 = vector.shape_cast %get3A_425 : vector<1x16xf32> to vector<16xf32>
        %mul3A_427 = arith.mulf %bitcast_convert_type3A_416, %get3A_422 : vector<16xf32>
        %swap3A_428 = arith.index_cast %scan3A_323 : i32 to index
        %swap3A_429 = arith.constant 48 : index
        %swap3A_430 = tpu.vector_load %arg11[%swap3A_428, %swap3A_429] {strides = array<i32>} : memref<72x128xf32, #tpu.memory_space<vmem>>, vector<1x16xf32>,
        %swap3A_431 = vector.shape_cast %swap3A_430 : vector<1x16xf32> to vector<16xf32>
        %swap3A_432 = vector.shape_cast %mul3A_427 : vector<16xf32> to vector<1x16xf32>
        tpu.vector_store %arg11[%swap3A_428, %swap3A_429], %swap3A_432 {strides = array<i32>} : memref<72x128xf32, #tpu.memory_space<vmem>>, vector<1x16xf32>,
        %mul3A_433 = arith.mulf %bitcast_convert_type3A_418, %get3A_426 : vector<16xf32>
        %swap3A_434 = arith.index_cast %scan3A_323 : i32 to index
        %swap3A_435 = arith.constant 112 : index
        %swap3A_436 = tpu.vector_load %arg11[%swap3A_434, %swap3A_435] {strides = array<i32>} : memref<72x128xf32, #tpu.memory_space<vmem>>, vector<1x16xf32>,
        %swap3A_437 = vector.shape_cast %swap3A_436 : vector<1x16xf32> to vector<16xf32>
        %swap3A_438 = vector.shape_cast %mul3A_433 : vector<16xf32> to vector<1x16xf32>
        tpu.vector_store %arg11[%swap3A_434, %swap3A_435], %swap3A_438 {strides = array<i32>} : memref<72x128xf32, #tpu.memory_space<vmem>>, vector<1x16xf32>,
      }
      %scan3A_235 = arith.constant 72 : i32
      %min3A_236 = arith.constant 137 : i32
      %min3A_237 = arith.minsi %mul3A_170, %min3A_236 : i32
      %add3A_238 = arith.constant 0 : i32
      %add3A_239 = arith.addi %add3A_238, %mul3A_45 : i32
      %mul3A_240 = arith.constant 72 : i32
      %mul3A_241 = arith.muli %min3A_237, %mul3A_240 : i32
      %add3A_242 = arith.addi %add3A_239, %mul3A_241 : i32
      %dma_wait3A_243 = tpu.memref_slice %arg5[%add3A_242] : memref<320000xi32, #tpu.memory_space<hbm>> -> memref<72xi32, #tpu.memory_space<hbm>>
      %dma_wait3A_244 = tpu.memref_slice %arg5[%add3A_242] : memref<320000xi32, #tpu.memory_space<hbm>> -> memref<72xi32, #tpu.memory_space<hbm>>
      tpu.wait_dma2 semaphore(%arg25 : memref<!tpu.dma_semaphore, #tpu.memory_space<semaphore_mem>>) src(%dma_wait3A_244 : memref<72xi32, #tpu.memory_space<hbm>>) dst(%arg14 : memref<72xi32, #tpu.memory_space<vmem>>)
      "tpu.region"() ({
        %run_scoped3A = tpu.sem_alloc : memref<!tpu.dma_semaphore, #tpu.memory_space<semaphore_mem>>
        %dma_start3A_323 = arith.constant 0 : i32
        %dma_start3A_324 = arith.constant 0 : i32
        %dma_start3A_325 = tpu.memref_slice %arg18[%dma_start3A_323, %dma_start3A_324] : memref<10000x128xf32, #tpu.memory_space<vmem_shared>> -> memref<10000x128xf32, #tpu.memory_space<vmem_shared>>
        tpu.enqueue_indirect_dma source(%arg11 : memref<72x128xf32, #tpu.memory_space<vmem>>) target(%dma_start3A_325 : memref<10000x128xf32, #tpu.memory_space<vmem_shared>>) offsets(%arg14 : memref<72xi32, #tpu.memory_space<vmem>>) semaphore(%run_scoped3A : memref<!tpu.dma_semaphore, #tpu.memory_space<semaphore_mem>>) {add = true}
        %dma_wait3A_326 = arith.constant 0 : i32
        %dma_wait3A_327 = arith.constant 0 : i32
        %dma_wait3A_328 = tpu.memref_slice %arg18[%dma_wait3A_326, %dma_wait3A_327] : memref<10000x128xf32, #tpu.memory_space<vmem_shared>> -> memref<10000x128xf32, #tpu.memory_space<vmem_shared>>
        tpu.wait_indirect_dma semaphore(%run_scoped3A : memref<!tpu.dma_semaphore, #tpu.memory_space<semaphore_mem>>) src(%arg11 : memref<72x128xf32, #tpu.memory_space<vmem>>) dst(%dma_wait3A_328 : memref<10000x128xf32, #tpu.memory_space<vmem_shared>>)
        tpu.yield
      }) : () -> ()
      %mul3A_245 = arith.constant 2 : i32
      %mul3A_246 = arith.muli %mul3A_245, %scan3A_168 : i32
      %add3A_247 = arith.constant 1 : i32
      %add3A_248 = arith.addi %mul3A_246, %add3A_247 : i32
      %add3A_249 = arith.constant 1 : i32
      %add3A_250 = arith.addi %add3A_248, %add3A_249 : i32
      %min3A_251 = arith.constant 137 : i32
      %min3A_252 = arith.minsi %add3A_250, %min3A_251 : i32
      %add3A_253 = arith.constant 0 : i32
      %add3A_254 = arith.addi %add3A_253, %mul3A_45 : i32
      %mul3A_255 = arith.constant 72 : i32
      %mul3A_256 = arith.muli %min3A_252, %mul3A_255 : i32
      %add3A_257 = arith.addi %add3A_254, %mul3A_256 : i32
      %dma_wait3A_258 = tpu.memref_slice %arg4[%add3A_257] : memref<320000xi32, #tpu.memory_space<hbm>> -> memref<72xi32, #tpu.memory_space<hbm>>
      %dma_wait3A_259 = tpu.memref_slice %arg4[%add3A_257] : memref<320000xi32, #tpu.memory_space<hbm>> -> memref<72xi32, #tpu.memory_space<hbm>>
      tpu.wait_dma2 semaphore(%arg23 : memref<!tpu.dma_semaphore, #tpu.memory_space<semaphore_mem>>) src(%dma_wait3A_259 : memref<72xi32, #tpu.memory_space<hbm>>) dst(%arg12 : memref<72xi32, #tpu.memory_space<vmem>>)
      %add3A_260 = arith.constant 1 : i32
      %add3A_261 = arith.addi %add3A_248, %add3A_260 : i32
      %min3A_262 = arith.constant 137 : i32
      %min3A_263 = arith.minsi %add3A_261, %min3A_262 : i32
      %mul3A_264 = arith.constant 72 : i32
      %mul3A_265 = arith.muli %min3A_263, %mul3A_264 : i32
      %add3A_266 = arith.addi %mul3A_45, %mul3A_265 : i32
      %dma_start3A_267 = arith.constant 0 : i32
      %dma_start3A_268 = tpu.memref_slice %arg2[%add3A_266, %dma_start3A_267] : memref<320000x64xi32, #tpu.memory_space<hbm>> -> memref<72x64xi32, #tpu.memory_space<hbm>>
      %dma_start3A_269 = arith.constant 0 : i32
      %dma_start3A_270 = tpu.memref_slice %arg2[%add3A_266, %dma_start3A_269] : memref<320000x64xi32, #tpu.memory_space<hbm>> -> memref<72x64xi32, #tpu.memory_space<hbm>>
      tpu.enqueue_dma source(%dma_start3A_270 : memref<72x64xi32, #tpu.memory_space<hbm>>) target(%arg7 : memref<72x64xi32, #tpu.memory_space<vmem>>) target_semaphore(%arg19 : memref<!tpu.dma_semaphore, #tpu.memory_space<semaphore_mem>>)
      %dma_start3A_271 = arith.constant 0 : i32
      %dma_start3A_272 = arith.constant 0 : i32
      %dma_start3A_273 = tpu.memref_slice %arg3[%dma_start3A_271, %dma_start3A_272] : memref<10000x128xf32, #tpu.memory_space<hbm>> -> memref<10000x128xf32, #tpu.memory_space<hbm>>
      tpu.enqueue_indirect_dma source(%dma_start3A_273 : memref<10000x128xf32, #tpu.memory_space<hbm>>) target(%arg9 : memref<72x128xf32, #tpu.memory_space<vmem>>) offsets(%arg12 : memref<72xi32, #tpu.memory_space<vmem>>) semaphore(%arg21 : memref<!tpu.dma_semaphore, #tpu.memory_space<semaphore_mem>>)
      %min3A_274 = arith.constant 137 : i32
      %min3A_275 = arith.minsi %add3A_248, %min3A_274 : i32
      %mul3A_276 = arith.constant 72 : i32
      %mul3A_277 = arith.muli %min3A_275, %mul3A_276 : i32
      %add3A_278 = arith.addi %mul3A_45, %mul3A_277 : i32
      %dma_wait3A_279 = arith.constant 0 : i32
      %dma_wait3A_280 = tpu.memref_slice %arg2[%add3A_278, %dma_wait3A_279] : memref<320000x64xi32, #tpu.memory_space<hbm>> -> memref<72x64xi32, #tpu.memory_space<hbm>>
      %dma_wait3A_281 = arith.constant 0 : i32
      %dma_wait3A_282 = tpu.memref_slice %arg2[%add3A_278, %dma_wait3A_281] : memref<320000x64xi32, #tpu.memory_space<hbm>> -> memref<72x64xi32, #tpu.memory_space<hbm>>
      tpu.wait_dma2 semaphore(%arg20 : memref<!tpu.dma_semaphore, #tpu.memory_space<semaphore_mem>>) src(%dma_wait3A_282 : memref<72x64xi32, #tpu.memory_space<hbm>>) dst(%arg8 : memref<72x64xi32, #tpu.memory_space<vmem>>)
      %dma_wait3A_283 = arith.constant 0 : i32
      %dma_wait3A_284 = arith.constant 0 : i32
      %dma_wait3A_285 = tpu.memref_slice %arg3[%dma_wait3A_283, %dma_wait3A_284] : memref<10000x128xf32, #tpu.memory_space<hbm>> -> memref<10000x128xf32, #tpu.memory_space<hbm>>
      tpu.wait_indirect_dma semaphore(%arg22 : memref<!tpu.dma_semaphore, #tpu.memory_space<semaphore_mem>>) src(%dma_wait3A_285 : memref<10000x128xf32, #tpu.memory_space<hbm>>) dst(%arg10 : memref<72x128xf32, #tpu.memory_space<vmem>>)
      %add3A_286 = arith.constant 2 : i32
      %add3A_287 = arith.addi %add3A_248, %add3A_286 : i32
      %min3A_288 = arith.constant 137 : i32
      %min3A_289 = arith.minsi %add3A_287, %min3A_288 : i32
      %add3A_290 = arith.constant 0 : i32
      %add3A_291 = arith.addi %add3A_290, %mul3A_45 : i32
      %mul3A_292 = arith.constant 72 : i32
      %mul3A_293 = arith.muli %min3A_289, %mul3A_292 : i32
      %add3A_294 = arith.addi %add3A_291, %mul3A_293 : i32
      %dma_start3A_295 = tpu.memref_slice %arg4[%add3A_294] : memref<320000xi32, #tpu.memory_space<hbm>> -> memref<72xi32, #tpu.memory_space<hbm>>
      %dma_start3A_296 = tpu.memref_slice %arg4[%add3A_294] : memref<320000xi32, #tpu.memory_space<hbm>> -> memref<72xi32, #tpu.memory_space<hbm>>
      tpu.enqueue_dma source(%dma_start3A_296 : memref<72xi32, #tpu.memory_space<hbm>>) target(%arg13 : memref<72xi32, #tpu.memory_space<vmem>>) target_semaphore(%arg24 : memref<!tpu.dma_semaphore, #tpu.memory_space<semaphore_mem>>)
      %add3A_297 = arith.constant 1 : i32
      %add3A_298 = arith.addi %add3A_248, %add3A_297 : i32
      %min3A_299 = arith.constant 137 : i32
      %min3A_300 = arith.minsi %add3A_298, %min3A_299 : i32
      %add3A_301 = arith.constant 0 : i32
      %add3A_302 = arith.addi %add3A_301, %mul3A_45 : i32
      %mul3A_303 = arith.constant 72 : i32
      %mul3A_304 = arith.muli %min3A_300, %mul3A_303 : i32
      %add3A_305 = arith.addi %add3A_302, %mul3A_304 : i32
      %dma_start3A_306 = tpu.memref_slice %arg5[%add3A_305] : memref<320000xi32, #tpu.memory_space<hbm>> -> memref<72xi32, #tpu.memory_space<hbm>>
      %dma_start3A_307 = tpu.memref_slice %arg5[%add3A_305] : memref<320000xi32, #tpu.memory_space<hbm>> -> memref<72xi32, #tpu.memory_space<hbm>>
      tpu.enqueue_dma source(%dma_start3A_307 : memref<72xi32, #tpu.memory_space<hbm>>) target(%arg14 : memref<72xi32, #tpu.memory_space<vmem>>) target_semaphore(%arg25 : memref<!tpu.dma_semaphore, #tpu.memory_space<semaphore_mem>>)
      %scan3A_308 = arith.constant 0 : i32
      %scan3A_309 = arith.constant 0 : i32
      %scan3A_310 = arith.constant 72 : i32
      %scan3A_311 = arith.addi %scan3A_309, %scan3A_310 : i32
      %scan3A_312 = arith.constant 1 : i32
      scf.for %scan3A_323 = %scan3A_309 to %scan3A_311 step %scan3A_312  : i32 {
        %get3A = arith.index_cast %scan3A_323 : i32 to index
        %get3A_324 = arith.constant 0 : index
        %get3A_325 = tpu.vector_load %arg8[%get3A, %get3A_324] {strides = array<i32>} : memref<72x64xi32, #tpu.memory_space<vmem>>, vector<1x16xi32>,
        %get3A_326 = vector.shape_cast %get3A_325 : vector<1x16xi32> to vector<16xi32>
        %shift_left3A = arith.constant 16 : i32
        %shift_left3A_327 = vector.broadcast %shift_left3A : i32 to vector<16xi32>
        %shift_left3A_328 = arith.shli %get3A_326, %shift_left3A_327 : vector<16xi32>
        %bitcast_convert_type3A = tpu.bitcast %shift_left3A_328 : vector<16xi32> -> vector<16xf32>
        %and3A = arith.andi %get3A_326, %broadcast_in_dim3A_46 : vector<16xi32>
        %bitcast_convert_type3A_329 = tpu.bitcast %and3A : vector<16xi32> -> vector<16xf32>
        %get3A_330 = arith.index_cast %scan3A_323 : i32 to index
        %get3A_331 = arith.constant 0 : index
        %get3A_332 = tpu.vector_load %arg10[%get3A_330, %get3A_331] {strides = array<i32>} : memref<72x128xf32, #tpu.memory_space<vmem>>, vector<1x16xf32>,
        %get3A_333 = vector.shape_cast %get3A_332 : vector<1x16xf32> to vector<16xf32>
        %get3A_334 = arith.index_cast %scan3A_323 : i32 to index
        %get3A_335 = arith.constant 64 : index
        %get3A_336 = tpu.vector_load %arg10[%get3A_334, %get3A_335] {strides = array<i32>} : memref<72x128xf32, #tpu.memory_space<vmem>>, vector<1x16xf32>,
        %get3A_337 = vector.shape_cast %get3A_336 : vector<1x16xf32> to vector<16xf32>
        %mul3A_338 = arith.mulf %bitcast_convert_type3A, %get3A_333 : vector<16xf32>
        %swap3A = arith.index_cast %scan3A_323 : i32 to index
        %swap3A_339 = arith.constant 0 : index
        %swap3A_340 = tpu.vector_load %arg11[%swap3A, %swap3A_339] {strides = array<i32>} : memref<72x128xf32, #tpu.memory_space<vmem>>, vector<1x16xf32>,
        %swap3A_341 = vector.shape_cast %swap3A_340 : vector<1x16xf32> to vector<16xf32>
        %swap3A_342 = vector.shape_cast %mul3A_338 : vector<16xf32> to vector<1x16xf32>
        tpu.vector_store %arg11[%swap3A, %swap3A_339], %swap3A_342 {strides = array<i32>} : memref<72x128xf32, #tpu.memory_space<vmem>>, vector<1x16xf32>,
        %mul3A_343 = arith.mulf %bitcast_convert_type3A_329, %get3A_337 : vector<16xf32>
        %swap3A_344 = arith.index_cast %scan3A_323 : i32 to index
        %swap3A_345 = arith.constant 64 : index
        %swap3A_346 = tpu.vector_load %arg11[%swap3A_344, %swap3A_345] {strides = array<i32>} : memref<72x128xf32, #tpu.memory_space<vmem>>, vector<1x16xf32>,
        %swap3A_347 = vector.shape_cast %swap3A_346 : vector<1x16xf32> to vector<16xf32>
        %swap3A_348 = vector.shape_cast %mul3A_343 : vector<16xf32> to vector<1x16xf32>
        tpu.vector_store %arg11[%swap3A_344, %swap3A_345], %swap3A_348 {strides = array<i32>} : memref<72x128xf32, #tpu.memory_space<vmem>>, vector<1x16xf32>,
        %get3A_349 = arith.index_cast %scan3A_323 : i32 to index
        %get3A_350 = arith.constant 16 : index
        %get3A_351 = tpu.vector_load %arg8[%get3A_349, %get3A_350] {strides = array<i32>} : memref<72x64xi32, #tpu.memory_space<vmem>>, vector<1x16xi32>,
        %get3A_352 = vector.shape_cast %get3A_351 : vector<1x16xi32> to vector<16xi32>
        %shift_left3A_353 = arith.constant 16 : i32
        %shift_left3A_354 = vector.broadcast %shift_left3A_353 : i32 to vector<16xi32>
        %shift_left3A_355 = arith.shli %get3A_352, %shift_left3A_354 : vector<16xi32>
        %bitcast_convert_type3A_356 = tpu.bitcast %shift_left3A_355 : vector<16xi32> -> vector<16xf32>
        %and3A_357 = arith.andi %get3A_352, %broadcast_in_dim3A_46 : vector<16xi32>
        %bitcast_convert_type3A_358 = tpu.bitcast %and3A_357 : vector<16xi32> -> vector<16xf32>
        %get3A_359 = arith.index_cast %scan3A_323 : i32 to index
        %get3A_360 = arith.constant 16 : index
        %get3A_361 = tpu.vector_load %arg10[%get3A_359, %get3A_360] {strides = array<i32>} : memref<72x128xf32, #tpu.memory_space<vmem>>, vector<1x16xf32>,
        %get3A_362 = vector.shape_cast %get3A_361 : vector<1x16xf32> to vector<16xf32>
        %get3A_363 = arith.index_cast %scan3A_323 : i32 to index
        %get3A_364 = arith.constant 80 : index
        %get3A_365 = tpu.vector_load %arg10[%get3A_363, %get3A_364] {strides = array<i32>} : memref<72x128xf32, #tpu.memory_space<vmem>>, vector<1x16xf32>,
        %get3A_366 = vector.shape_cast %get3A_365 : vector<1x16xf32> to vector<16xf32>
        %mul3A_367 = arith.mulf %bitcast_convert_type3A_356, %get3A_362 : vector<16xf32>
        %swap3A_368 = arith.index_cast %scan3A_323 : i32 to index
        %swap3A_369 = arith.constant 16 : index
        %swap3A_370 = tpu.vector_load %arg11[%swap3A_368, %swap3A_369] {strides = array<i32>} : memref<72x128xf32, #tpu.memory_space<vmem>>, vector<1x16xf32>,
        %swap3A_371 = vector.shape_cast %swap3A_370 : vector<1x16xf32> to vector<16xf32>
        %swap3A_372 = vector.shape_cast %mul3A_367 : vector<16xf32> to vector<1x16xf32>
        tpu.vector_store %arg11[%swap3A_368, %swap3A_369], %swap3A_372 {strides = array<i32>} : memref<72x128xf32, #tpu.memory_space<vmem>>, vector<1x16xf32>,
        %mul3A_373 = arith.mulf %bitcast_convert_type3A_358, %get3A_366 : vector<16xf32>
        %swap3A_374 = arith.index_cast %scan3A_323 : i32 to index
        %swap3A_375 = arith.constant 80 : index
        %swap3A_376 = tpu.vector_load %arg11[%swap3A_374, %swap3A_375] {strides = array<i32>} : memref<72x128xf32, #tpu.memory_space<vmem>>, vector<1x16xf32>,
        %swap3A_377 = vector.shape_cast %swap3A_376 : vector<1x16xf32> to vector<16xf32>
        %swap3A_378 = vector.shape_cast %mul3A_373 : vector<16xf32> to vector<1x16xf32>
        tpu.vector_store %arg11[%swap3A_374, %swap3A_375], %swap3A_378 {strides = array<i32>} : memref<72x128xf32, #tpu.memory_space<vmem>>, vector<1x16xf32>,
        %get3A_379 = arith.index_cast %scan3A_323 : i32 to index
        %get3A_380 = arith.constant 32 : index
        %get3A_381 = tpu.vector_load %arg8[%get3A_379, %get3A_380] {strides = array<i32>} : memref<72x64xi32, #tpu.memory_space<vmem>>, vector<1x16xi32>,
        %get3A_382 = vector.shape_cast %get3A_381 : vector<1x16xi32> to vector<16xi32>
        %shift_left3A_383 = arith.constant 16 : i32
        %shift_left3A_384 = vector.broadcast %shift_left3A_383 : i32 to vector<16xi32>
        %shift_left3A_385 = arith.shli %get3A_382, %shift_left3A_384 : vector<16xi32>
        %bitcast_convert_type3A_386 = tpu.bitcast %shift_left3A_385 : vector<16xi32> -> vector<16xf32>
        %and3A_387 = arith.andi %get3A_382, %broadcast_in_dim3A_46 : vector<16xi32>
        %bitcast_convert_type3A_388 = tpu.bitcast %and3A_387 : vector<16xi32> -> vector<16xf32>
        %get3A_389 = arith.index_cast %scan3A_323 : i32 to index
        %get3A_390 = arith.constant 32 : index
        %get3A_391 = tpu.vector_load %arg10[%get3A_389, %get3A_390] {strides = array<i32>} : memref<72x128xf32, #tpu.memory_space<vmem>>, vector<1x16xf32>,
        %get3A_392 = vector.shape_cast %get3A_391 : vector<1x16xf32> to vector<16xf32>
        %get3A_393 = arith.index_cast %scan3A_323 : i32 to index
        %get3A_394 = arith.constant 96 : index
        %get3A_395 = tpu.vector_load %arg10[%get3A_393, %get3A_394] {strides = array<i32>} : memref<72x128xf32, #tpu.memory_space<vmem>>, vector<1x16xf32>,
        %get3A_396 = vector.shape_cast %get3A_395 : vector<1x16xf32> to vector<16xf32>
        %mul3A_397 = arith.mulf %bitcast_convert_type3A_386, %get3A_392 : vector<16xf32>
        %swap3A_398 = arith.index_cast %scan3A_323 : i32 to index
        %swap3A_399 = arith.constant 32 : index
        %swap3A_400 = tpu.vector_load %arg11[%swap3A_398, %swap3A_399] {strides = array<i32>} : memref<72x128xf32, #tpu.memory_space<vmem>>, vector<1x16xf32>,
        %swap3A_401 = vector.shape_cast %swap3A_400 : vector<1x16xf32> to vector<16xf32>
        %swap3A_402 = vector.shape_cast %mul3A_397 : vector<16xf32> to vector<1x16xf32>
        tpu.vector_store %arg11[%swap3A_398, %swap3A_399], %swap3A_402 {strides = array<i32>} : memref<72x128xf32, #tpu.memory_space<vmem>>, vector<1x16xf32>,
        %mul3A_403 = arith.mulf %bitcast_convert_type3A_388, %get3A_396 : vector<16xf32>
        %swap3A_404 = arith.index_cast %scan3A_323 : i32 to index
        %swap3A_405 = arith.constant 96 : index
        %swap3A_406 = tpu.vector_load %arg11[%swap3A_404, %swap3A_405] {strides = array<i32>} : memref<72x128xf32, #tpu.memory_space<vmem>>, vector<1x16xf32>,
        %swap3A_407 = vector.shape_cast %swap3A_406 : vector<1x16xf32> to vector<16xf32>
        %swap3A_408 = vector.shape_cast %mul3A_403 : vector<16xf32> to vector<1x16xf32>
        tpu.vector_store %arg11[%swap3A_404, %swap3A_405], %swap3A_408 {strides = array<i32>} : memref<72x128xf32, #tpu.memory_space<vmem>>, vector<1x16xf32>,
        %get3A_409 = arith.index_cast %scan3A_323 : i32 to index
        %get3A_410 = arith.constant 48 : index
        %get3A_411 = tpu.vector_load %arg8[%get3A_409, %get3A_410] {strides = array<i32>} : memref<72x64xi32, #tpu.memory_space<vmem>>, vector<1x16xi32>,
        %get3A_412 = vector.shape_cast %get3A_411 : vector<1x16xi32> to vector<16xi32>
        %shift_left3A_413 = arith.constant 16 : i32
        %shift_left3A_414 = vector.broadcast %shift_left3A_413 : i32 to vector<16xi32>
        %shift_left3A_415 = arith.shli %get3A_412, %shift_left3A_414 : vector<16xi32>
        %bitcast_convert_type3A_416 = tpu.bitcast %shift_left3A_415 : vector<16xi32> -> vector<16xf32>
        %and3A_417 = arith.andi %get3A_412, %broadcast_in_dim3A_46 : vector<16xi32>
        %bitcast_convert_type3A_418 = tpu.bitcast %and3A_417 : vector<16xi32> -> vector<16xf32>
        %get3A_419 = arith.index_cast %scan3A_323 : i32 to index
        %get3A_420 = arith.constant 48 : index
        %get3A_421 = tpu.vector_load %arg10[%get3A_419, %get3A_420] {strides = array<i32>} : memref<72x128xf32, #tpu.memory_space<vmem>>, vector<1x16xf32>,
        %get3A_422 = vector.shape_cast %get3A_421 : vector<1x16xf32> to vector<16xf32>
        %get3A_423 = arith.index_cast %scan3A_323 : i32 to index
        %get3A_424 = arith.constant 112 : index
        %get3A_425 = tpu.vector_load %arg10[%get3A_423, %get3A_424] {strides = array<i32>} : memref<72x128xf32, #tpu.memory_space<vmem>>, vector<1x16xf32>,
        %get3A_426 = vector.shape_cast %get3A_425 : vector<1x16xf32> to vector<16xf32>
        %mul3A_427 = arith.mulf %bitcast_convert_type3A_416, %get3A_422 : vector<16xf32>
        %swap3A_428 = arith.index_cast %scan3A_323 : i32 to index
        %swap3A_429 = arith.constant 48 : index
        %swap3A_430 = tpu.vector_load %arg11[%swap3A_428, %swap3A_429] {strides = array<i32>} : memref<72x128xf32, #tpu.memory_space<vmem>>, vector<1x16xf32>,
        %swap3A_431 = vector.shape_cast %swap3A_430 : vector<1x16xf32> to vector<16xf32>
        %swap3A_432 = vector.shape_cast %mul3A_427 : vector<16xf32> to vector<1x16xf32>
        tpu.vector_store %arg11[%swap3A_428, %swap3A_429], %swap3A_432 {strides = array<i32>} : memref<72x128xf32, #tpu.memory_space<vmem>>, vector<1x16xf32>,
        %mul3A_433 = arith.mulf %bitcast_convert_type3A_418, %get3A_426 : vector<16xf32>
        %swap3A_434 = arith.index_cast %scan3A_323 : i32 to index
        %swap3A_435 = arith.constant 112 : index
        %swap3A_436 = tpu.vector_load %arg11[%swap3A_434, %swap3A_435] {strides = array<i32>} : memref<72x128xf32, #tpu.memory_space<vmem>>, vector<1x16xf32>,
        %swap3A_437 = vector.shape_cast %swap3A_436 : vector<1x16xf32> to vector<16xf32>
        %swap3A_438 = vector.shape_cast %mul3A_433 : vector<16xf32> to vector<1x16xf32>
        tpu.vector_store %arg11[%swap3A_434, %swap3A_435], %swap3A_438 {strides = array<i32>} : memref<72x128xf32, #tpu.memory_space<vmem>>, vector<1x16xf32>,
      }
      %scan3A_313 = arith.constant 72 : i32
      %min3A_314 = arith.constant 137 : i32
      %min3A_315 = arith.minsi %add3A_248, %min3A_314 : i32
      %add3A_316 = arith.constant 0 : i32
      %add3A_317 = arith.addi %add3A_316, %mul3A_45 : i32
      %mul3A_318 = arith.constant 72 : i32
      %mul3A_319 = arith.muli %min3A_315, %mul3A_318 : i32
      %add3A_320 = arith.addi %add3A_317, %mul3A_319 : i32
      %dma_wait3A_321 = tpu.memref_slice %arg5[%add3A_320] : memref<320000xi32, #tpu.memory_space<hbm>> -> memref<72xi32, #tpu.memory_space<hbm>>
      %dma_wait3A_322 = tpu.memref_slice %arg5[%add3A_320] : memref<320000xi32, #tpu.memory_space<hbm>> -> memref<72xi32, #tpu.memory_space<hbm>>
      tpu.wait_dma2 semaphore(%arg26 : memref<!tpu.dma_semaphore, #tpu.memory_space<semaphore_mem>>) src(%dma_wait3A_322 : memref<72xi32, #tpu.memory_space<hbm>>) dst(%arg15 : memref<72xi32, #tpu.memory_space<vmem>>)
      "tpu.region"() ({
        %run_scoped3A = tpu.sem_alloc : memref<!tpu.dma_semaphore, #tpu.memory_space<semaphore_mem>>
        %dma_start3A_323 = arith.constant 0 : i32
        %dma_start3A_324 = arith.constant 0 : i32
        %dma_start3A_325 = tpu.memref_slice %arg18[%dma_start3A_323, %dma_start3A_324] : memref<10000x128xf32, #tpu.memory_space<vmem_shared>> -> memref<10000x128xf32, #tpu.memory_space<vmem_shared>>
        tpu.enqueue_indirect_dma source(%arg11 : memref<72x128xf32, #tpu.memory_space<vmem>>) target(%dma_start3A_325 : memref<10000x128xf32, #tpu.memory_space<vmem_shared>>) offsets(%arg15 : memref<72xi32, #tpu.memory_space<vmem>>) semaphore(%run_scoped3A : memref<!tpu.dma_semaphore, #tpu.memory_space<semaphore_mem>>) {add = true}
        %dma_wait3A_326 = arith.constant 0 : i32
        %dma_wait3A_327 = arith.constant 0 : i32
        %dma_wait3A_328 = tpu.memref_slice %arg18[%dma_wait3A_326, %dma_wait3A_327] : memref<10000x128xf32, #tpu.memory_space<vmem_shared>> -> memref<10000x128xf32, #tpu.memory_space<vmem_shared>>
        tpu.wait_indirect_dma semaphore(%run_scoped3A : memref<!tpu.dma_semaphore, #tpu.memory_space<semaphore_mem>>) src(%arg11 : memref<72x128xf32, #tpu.memory_space<vmem>>) dst(%dma_wait3A_328 : memref<10000x128xf32, #tpu.memory_space<vmem_shared>>)
        tpu.yield
      }) : () -> ()
    }
    %scan3A_102 = arith.constant 69 : i32
    %min3A_103 = arith.constant 0 : i32
    %min3A_104 = arith.constant 137 : i32
    %min3A_105 = arith.minsi %min3A_103, %min3A_104 : i32
    %mul3A_106 = arith.constant 72 : i32
    %mul3A_107 = arith.muli %min3A_105, %mul3A_106 : i32
    %add3A_108 = arith.addi %mul3A_45, %mul3A_107 : i32
    %dma_wait3A_109 = arith.constant 0 : i32
    %dma_wait3A_110 = tpu.memref_slice %arg2[%add3A_108, %dma_wait3A_109] : memref<320000x64xi32, #tpu.memory_space<hbm>> -> memref<72x64xi32, #tpu.memory_space<hbm>>
    %dma_wait3A_111 = arith.constant 0 : i32
    %dma_wait3A_112 = tpu.memref_slice %arg2[%add3A_108, %dma_wait3A_111] : memref<320000x64xi32, #tpu.memory_space<hbm>> -> memref<72x64xi32, #tpu.memory_space<hbm>>
    tpu.wait_dma2 semaphore(%arg19 : memref<!tpu.dma_semaphore, #tpu.memory_space<semaphore_mem>>) src(%dma_wait3A_112 : memref<72x64xi32, #tpu.memory_space<hbm>>) dst(%arg7 : memref<72x64xi32, #tpu.memory_space<vmem>>)
    %dma_wait3A_113 = arith.constant 0 : i32
    %dma_wait3A_114 = arith.constant 0 : i32
    %dma_wait3A_115 = tpu.memref_slice %arg3[%dma_wait3A_113, %dma_wait3A_114] : memref<10000x128xf32, #tpu.memory_space<hbm>> -> memref<10000x128xf32, #tpu.memory_space<hbm>>
    tpu.wait_indirect_dma semaphore(%arg21 : memref<!tpu.dma_semaphore, #tpu.memory_space<semaphore_mem>>) src(%dma_wait3A_115 : memref<10000x128xf32, #tpu.memory_space<hbm>>) dst(%arg9 : memref<72x128xf32, #tpu.memory_space<vmem>>)
    %min3A_116 = arith.constant 0 : i32
    %min3A_117 = arith.constant 137 : i32
    %min3A_118 = arith.minsi %min3A_116, %min3A_117 : i32
    %add3A_119 = arith.constant 0 : i32
    %add3A_120 = arith.addi %add3A_119, %mul3A_45 : i32
    %mul3A_121 = arith.constant 72 : i32
    %mul3A_122 = arith.muli %min3A_118, %mul3A_121 : i32
    %add3A_123 = arith.addi %add3A_120, %mul3A_122 : i32
    %dma_wait3A_124 = tpu.memref_slice %arg4[%add3A_123] : memref<320000xi32, #tpu.memory_space<hbm>> -> memref<72xi32, #tpu.memory_space<hbm>>
    %dma_wait3A_125 = tpu.memref_slice %arg4[%add3A_123] : memref<320000xi32, #tpu.memory_space<hbm>> -> memref<72xi32, #tpu.memory_space<hbm>>
    tpu.wait_dma2 semaphore(%arg24 : memref<!tpu.dma_semaphore, #tpu.memory_space<semaphore_mem>>) src(%dma_wait3A_125 : memref<72xi32, #tpu.memory_space<hbm>>) dst(%arg13 : memref<72xi32, #tpu.memory_space<vmem>>)
    %min3A_126 = arith.constant 0 : i32
    %min3A_127 = arith.constant 137 : i32
    %min3A_128 = arith.minsi %min3A_126, %min3A_127 : i32
    %add3A_129 = arith.constant 0 : i32
    %add3A_130 = arith.addi %add3A_129, %mul3A_45 : i32
    %mul3A_131 = arith.constant 72 : i32
    %mul3A_132 = arith.muli %min3A_128, %mul3A_131 : i32
    %add3A_133 = arith.addi %add3A_130, %mul3A_132 : i32
    %dma_wait3A_134 = tpu.memref_slice %arg5[%add3A_133] : memref<320000xi32, #tpu.memory_space<hbm>> -> memref<72xi32, #tpu.memory_space<hbm>>
    %dma_wait3A_135 = tpu.memref_slice %arg5[%add3A_133] : memref<320000xi32, #tpu.memory_space<hbm>> -> memref<72xi32, #tpu.memory_space<hbm>>
    tpu.wait_dma2 semaphore(%arg25 : memref<!tpu.dma_semaphore, #tpu.memory_space<semaphore_mem>>) src(%dma_wait3A_135 : memref<72xi32, #tpu.memory_space<hbm>>) dst(%arg14 : memref<72xi32, #tpu.memory_space<vmem>>)
    %add3A_136 = arith.constant 9936 : i32
    %add3A_137 = arith.addi %mul3A_45, %add3A_136 : i32
    %add3A_138 = arith.constant 0 : i32
    %add3A_139 = arith.addi %add3A_138, %add3A_137 : i32
    "tpu.region"() ({
      %run_scoped3A = tpu.sem_alloc : memref<!tpu.dma_semaphore, #tpu.memory_space<semaphore_mem>>
      %dma_start3A_168 = tpu.memref_slice %arg4[%add3A_139] : memref<320000xi32, #tpu.memory_space<hbm>> -> memref<16xi32, #tpu.memory_space<hbm>>
      %dma_start3A_169 = tpu.memref_slice %arg4[%add3A_139] : memref<320000xi32, #tpu.memory_space<hbm>> -> memref<16xi32, #tpu.memory_space<hbm>>
      tpu.enqueue_dma source(%dma_start3A_169 : memref<16xi32, #tpu.memory_space<hbm>>) target(%arg16 : memref<16xi32, #tpu.memory_space<vmem>>) target_semaphore(%run_scoped3A : memref<!tpu.dma_semaphore, #tpu.memory_space<semaphore_mem>>)
      %dma_wait3A_170 = tpu.memref_slice %arg4[%add3A_139] : memref<320000xi32, #tpu.memory_space<hbm>> -> memref<16xi32, #tpu.memory_space<hbm>>
      %dma_wait3A_171 = tpu.memref_slice %arg4[%add3A_139] : memref<320000xi32, #tpu.memory_space<hbm>> -> memref<16xi32, #tpu.memory_space<hbm>>
      tpu.wait_dma2 semaphore(%run_scoped3A : memref<!tpu.dma_semaphore, #tpu.memory_space<semaphore_mem>>) src(%dma_wait3A_171 : memref<16xi32, #tpu.memory_space<hbm>>) dst(%arg16 : memref<16xi32, #tpu.memory_space<vmem>>)
      tpu.yield
    }) : () -> ()
    %add3A_140 = arith.constant 0 : i32
    %add3A_141 = arith.addi %add3A_140, %add3A_137 : i32
    "tpu.region"() ({
      %run_scoped3A = tpu.sem_alloc : memref<!tpu.dma_semaphore, #tpu.memory_space<semaphore_mem>>
      %dma_start3A_168 = tpu.memref_slice %arg5[%add3A_141] : memref<320000xi32, #tpu.memory_space<hbm>> -> memref<16xi32, #tpu.memory_space<hbm>>
      %dma_start3A_169 = tpu.memref_slice %arg5[%add3A_141] : memref<320000xi32, #tpu.memory_space<hbm>> -> memref<16xi32, #tpu.memory_space<hbm>>
      tpu.enqueue_dma source(%dma_start3A_169 : memref<16xi32, #tpu.memory_space<hbm>>) target(%arg17 : memref<16xi32, #tpu.memory_space<vmem>>) target_semaphore(%run_scoped3A : memref<!tpu.dma_semaphore, #tpu.memory_space<semaphore_mem>>)
      %dma_wait3A_170 = tpu.memref_slice %arg5[%add3A_141] : memref<320000xi32, #tpu.memory_space<hbm>> -> memref<16xi32, #tpu.memory_space<hbm>>
      %dma_wait3A_171 = tpu.memref_slice %arg5[%add3A_141] : memref<320000xi32, #tpu.memory_space<hbm>> -> memref<16xi32, #tpu.memory_space<hbm>>
      tpu.wait_dma2 semaphore(%run_scoped3A : memref<!tpu.dma_semaphore, #tpu.memory_space<semaphore_mem>>) src(%dma_wait3A_171 : memref<16xi32, #tpu.memory_space<hbm>>) dst(%arg17 : memref<16xi32, #tpu.memory_space<vmem>>)
      tpu.yield
    }) : () -> ()
    "tpu.region"() ({
      %run_scoped3A = tpu.sem_alloc : memref<!tpu.dma_semaphore, #tpu.memory_space<semaphore_mem>>
      %dma_start3A_168 = arith.constant 0 : i32
      %dma_start3A_169 = arith.constant 0 : i32
      %dma_start3A_170 = tpu.memref_slice %arg7[%dma_start3A_168, %dma_start3A_169] : memref<72x64xi32, #tpu.memory_space<vmem>> -> memref<16x64xi32, #tpu.memory_space<vmem>>
      %dma_start3A_171 = arith.constant 0 : i32
      %dma_start3A_172 = tpu.memref_slice %arg2[%add3A_137, %dma_start3A_171] : memref<320000x64xi32, #tpu.memory_space<hbm>> -> memref<16x64xi32, #tpu.memory_space<hbm>>
      %dma_start3A_173 = arith.constant 0 : i32
      %dma_start3A_174 = arith.constant 0 : i32
      %dma_start3A_175 = tpu.memref_slice %arg7[%dma_start3A_173, %dma_start3A_174] : memref<72x64xi32, #tpu.memory_space<vmem>> -> memref<16x64xi32, #tpu.memory_space<vmem>>
      %dma_start3A_176 = arith.constant 0 : i32
      %dma_start3A_177 = tpu.memref_slice %arg2[%add3A_137, %dma_start3A_176] : memref<320000x64xi32, #tpu.memory_space<hbm>> -> memref<16x64xi32, #tpu.memory_space<hbm>>
      tpu.enqueue_dma source(%dma_start3A_177 : memref<16x64xi32, #tpu.memory_space<hbm>>) target(%dma_start3A_175 : memref<16x64xi32, #tpu.memory_space<vmem>>) target_semaphore(%run_scoped3A : memref<!tpu.dma_semaphore, #tpu.memory_space<semaphore_mem>>)
      %dma_wait3A_178 = arith.constant 0 : i32
      %dma_wait3A_179 = arith.constant 0 : i32
      %dma_wait3A_180 = tpu.memref_slice %arg7[%dma_wait3A_178, %dma_wait3A_179] : memref<72x64xi32, #tpu.memory_space<vmem>> -> memref<16x64xi32, #tpu.memory_space<vmem>>
      %dma_wait3A_181 = arith.constant 0 : i32
      %dma_wait3A_182 = tpu.memref_slice %arg2[%add3A_137, %dma_wait3A_181] : memref<320000x64xi32, #tpu.memory_space<hbm>> -> memref<16x64xi32, #tpu.memory_space<hbm>>
      %dma_wait3A_183 = arith.constant 0 : i32
      %dma_wait3A_184 = arith.constant 0 : i32
      %dma_wait3A_185 = tpu.memref_slice %arg7[%dma_wait3A_183, %dma_wait3A_184] : memref<72x64xi32, #tpu.memory_space<vmem>> -> memref<16x64xi32, #tpu.memory_space<vmem>>
      %dma_wait3A_186 = arith.constant 0 : i32
      %dma_wait3A_187 = tpu.memref_slice %arg2[%add3A_137, %dma_wait3A_186] : memref<320000x64xi32, #tpu.memory_space<hbm>> -> memref<16x64xi32, #tpu.memory_space<hbm>>
      tpu.wait_dma2 semaphore(%run_scoped3A : memref<!tpu.dma_semaphore, #tpu.memory_space<semaphore_mem>>) src(%dma_wait3A_187 : memref<16x64xi32, #tpu.memory_space<hbm>>) dst(%dma_wait3A_185 : memref<16x64xi32, #tpu.memory_space<vmem>>)
      tpu.yield
    }) : () -> ()
    %dma_start3A_142 = arith.constant 0 : i32
    %dma_start3A_143 = arith.constant 0 : i32
    %dma_start3A_144 = tpu.memref_slice %arg9[%dma_start3A_142, %dma_start3A_143] : memref<72x128xf32, #tpu.memory_space<vmem>> -> memref<16x128xf32, #tpu.memory_space<vmem>>
    %dma_start3A_145 = arith.constant 0 : i32
    %dma_start3A_146 = arith.constant 0 : i32
    %dma_start3A_147 = tpu.memref_slice %arg3[%dma_start3A_145, %dma_start3A_146] : memref<10000x128xf32, #tpu.memory_space<hbm>> -> memref<10000x128xf32, #tpu.memory_space<hbm>>
    tpu.enqueue_indirect_dma source(%dma_start3A_147 : memref<10000x128xf32, #tpu.memory_space<hbm>>) target(%dma_start3A_144 : memref<16x128xf32, #tpu.memory_space<vmem>>) offsets(%arg16 : memref<16xi32, #tpu.memory_space<vmem>>) semaphore(%arg21 : memref<!tpu.dma_semaphore, #tpu.memory_space<semaphore_mem>>)
    %dma_wait3A_148 = arith.constant 0 : i32
    %dma_wait3A_149 = arith.constant 0 : i32
    %dma_wait3A_150 = tpu.memref_slice %arg9[%dma_wait3A_148, %dma_wait3A_149] : memref<72x128xf32, #tpu.memory_space<vmem>> -> memref<16x128xf32, #tpu.memory_space<vmem>>
    %dma_wait3A_151 = arith.constant 0 : i32
    %dma_wait3A_152 = arith.constant 0 : i32
    %dma_wait3A_153 = tpu.memref_slice %arg3[%dma_wait3A_151, %dma_wait3A_152] : memref<10000x128xf32, #tpu.memory_space<hbm>> -> memref<10000x128xf32, #tpu.memory_space<hbm>>
    tpu.wait_indirect_dma semaphore(%arg21 : memref<!tpu.dma_semaphore, #tpu.memory_space<semaphore_mem>>) src(%dma_wait3A_153 : memref<10000x128xf32, #tpu.memory_space<hbm>>) dst(%dma_wait3A_150 : memref<16x128xf32, #tpu.memory_space<vmem>>)
    %scan3A_154 = arith.constant 0 : i32
    %scan3A_155 = arith.constant 0 : i32
    %scan3A_156 = arith.constant 16 : i32
    %scan3A_157 = arith.addi %scan3A_155, %scan3A_156 : i32
    %scan3A_158 = arith.constant 1 : i32
    scf.for %scan3A_168 = %scan3A_155 to %scan3A_157 step %scan3A_158  : i32 {
      %get3A = arith.index_cast %scan3A_168 : i32 to index
      %get3A_169 = arith.constant 0 : index
      %get3A_170 = tpu.vector_load %arg7[%get3A, %get3A_169] {strides = array<i32>} : memref<72x64xi32, #tpu.memory_space<vmem>>, vector<1x16xi32>,
      %get3A_171 = vector.shape_cast %get3A_170 : vector<1x16xi32> to vector<16xi32>
      %shift_left3A = arith.constant 16 : i32
      %shift_left3A_172 = vector.broadcast %shift_left3A : i32 to vector<16xi32>
      %shift_left3A_173 = arith.shli %get3A_171, %shift_left3A_172 : vector<16xi32>
      %bitcast_convert_type3A = tpu.bitcast %shift_left3A_173 : vector<16xi32> -> vector<16xf32>
      %and3A = arith.andi %get3A_171, %broadcast_in_dim3A_46 : vector<16xi32>
      %bitcast_convert_type3A_174 = tpu.bitcast %and3A : vector<16xi32> -> vector<16xf32>
      %get3A_175 = arith.index_cast %scan3A_168 : i32 to index
      %get3A_176 = arith.constant 0 : index
      %get3A_177 = tpu.vector_load %arg9[%get3A_175, %get3A_176] {strides = array<i32>} : memref<72x128xf32, #tpu.memory_space<vmem>>, vector<1x16xf32>,
      %get3A_178 = vector.shape_cast %get3A_177 : vector<1x16xf32> to vector<16xf32>
      %get3A_179 = arith.index_cast %scan3A_168 : i32 to index
      %get3A_180 = arith.constant 64 : index
      %get3A_181 = tpu.vector_load %arg9[%get3A_179, %get3A_180] {strides = array<i32>} : memref<72x128xf32, #tpu.memory_space<vmem>>, vector<1x16xf32>,
      %get3A_182 = vector.shape_cast %get3A_181 : vector<1x16xf32> to vector<16xf32>
      %mul3A_183 = arith.mulf %bitcast_convert_type3A, %get3A_178 : vector<16xf32>
      %swap3A = arith.index_cast %scan3A_168 : i32 to index
      %swap3A_184 = arith.constant 0 : index
      %swap3A_185 = tpu.vector_load %arg11[%swap3A, %swap3A_184] {strides = array<i32>} : memref<72x128xf32, #tpu.memory_space<vmem>>, vector<1x16xf32>,
      %swap3A_186 = vector.shape_cast %swap3A_185 : vector<1x16xf32> to vector<16xf32>
      %swap3A_187 = vector.shape_cast %mul3A_183 : vector<16xf32> to vector<1x16xf32>
      tpu.vector_store %arg11[%swap3A, %swap3A_184], %swap3A_187 {strides = array<i32>} : memref<72x128xf32, #tpu.memory_space<vmem>>, vector<1x16xf32>,
      %mul3A_188 = arith.mulf %bitcast_convert_type3A_174, %get3A_182 : vector<16xf32>
      %swap3A_189 = arith.index_cast %scan3A_168 : i32 to index
      %swap3A_190 = arith.constant 64 : index
      %swap3A_191 = tpu.vector_load %arg11[%swap3A_189, %swap3A_190] {strides = array<i32>} : memref<72x128xf32, #tpu.memory_space<vmem>>, vector<1x16xf32>,
      %swap3A_192 = vector.shape_cast %swap3A_191 : vector<1x16xf32> to vector<16xf32>
      %swap3A_193 = vector.shape_cast %mul3A_188 : vector<16xf32> to vector<1x16xf32>
      tpu.vector_store %arg11[%swap3A_189, %swap3A_190], %swap3A_193 {strides = array<i32>} : memref<72x128xf32, #tpu.memory_space<vmem>>, vector<1x16xf32>,
      %get3A_194 = arith.index_cast %scan3A_168 : i32 to index
      %get3A_195 = arith.constant 16 : index
      %get3A_196 = tpu.vector_load %arg7[%get3A_194, %get3A_195] {strides = array<i32>} : memref<72x64xi32, #tpu.memory_space<vmem>>, vector<1x16xi32>,
      %get3A_197 = vector.shape_cast %get3A_196 : vector<1x16xi32> to vector<16xi32>
      %shift_left3A_198 = arith.constant 16 : i32
      %shift_left3A_199 = vector.broadcast %shift_left3A_198 : i32 to vector<16xi32>
      %shift_left3A_200 = arith.shli %get3A_197, %shift_left3A_199 : vector<16xi32>
      %bitcast_convert_type3A_201 = tpu.bitcast %shift_left3A_200 : vector<16xi32> -> vector<16xf32>
      %and3A_202 = arith.andi %get3A_197, %broadcast_in_dim3A_46 : vector<16xi32>
      %bitcast_convert_type3A_203 = tpu.bitcast %and3A_202 : vector<16xi32> -> vector<16xf32>
      %get3A_204 = arith.index_cast %scan3A_168 : i32 to index
      %get3A_205 = arith.constant 16 : index
      %get3A_206 = tpu.vector_load %arg9[%get3A_204, %get3A_205] {strides = array<i32>} : memref<72x128xf32, #tpu.memory_space<vmem>>, vector<1x16xf32>,
      %get3A_207 = vector.shape_cast %get3A_206 : vector<1x16xf32> to vector<16xf32>
      %get3A_208 = arith.index_cast %scan3A_168 : i32 to index
      %get3A_209 = arith.constant 80 : index
      %get3A_210 = tpu.vector_load %arg9[%get3A_208, %get3A_209] {strides = array<i32>} : memref<72x128xf32, #tpu.memory_space<vmem>>, vector<1x16xf32>,
      %get3A_211 = vector.shape_cast %get3A_210 : vector<1x16xf32> to vector<16xf32>
      %mul3A_212 = arith.mulf %bitcast_convert_type3A_201, %get3A_207 : vector<16xf32>
      %swap3A_213 = arith.index_cast %scan3A_168 : i32 to index
      %swap3A_214 = arith.constant 16 : index
      %swap3A_215 = tpu.vector_load %arg11[%swap3A_213, %swap3A_214] {strides = array<i32>} : memref<72x128xf32, #tpu.memory_space<vmem>>, vector<1x16xf32>,
      %swap3A_216 = vector.shape_cast %swap3A_215 : vector<1x16xf32> to vector<16xf32>
      %swap3A_217 = vector.shape_cast %mul3A_212 : vector<16xf32> to vector<1x16xf32>
      tpu.vector_store %arg11[%swap3A_213, %swap3A_214], %swap3A_217 {strides = array<i32>} : memref<72x128xf32, #tpu.memory_space<vmem>>, vector<1x16xf32>,
      %mul3A_218 = arith.mulf %bitcast_convert_type3A_203, %get3A_211 : vector<16xf32>
      %swap3A_219 = arith.index_cast %scan3A_168 : i32 to index
      %swap3A_220 = arith.constant 80 : index
      %swap3A_221 = tpu.vector_load %arg11[%swap3A_219, %swap3A_220] {strides = array<i32>} : memref<72x128xf32, #tpu.memory_space<vmem>>, vector<1x16xf32>,
      %swap3A_222 = vector.shape_cast %swap3A_221 : vector<1x16xf32> to vector<16xf32>
      %swap3A_223 = vector.shape_cast %mul3A_218 : vector<16xf32> to vector<1x16xf32>
      tpu.vector_store %arg11[%swap3A_219, %swap3A_220], %swap3A_223 {strides = array<i32>} : memref<72x128xf32, #tpu.memory_space<vmem>>, vector<1x16xf32>,
      %get3A_224 = arith.index_cast %scan3A_168 : i32 to index
      %get3A_225 = arith.constant 32 : index
      %get3A_226 = tpu.vector_load %arg7[%get3A_224, %get3A_225] {strides = array<i32>} : memref<72x64xi32, #tpu.memory_space<vmem>>, vector<1x16xi32>,
      %get3A_227 = vector.shape_cast %get3A_226 : vector<1x16xi32> to vector<16xi32>
      %shift_left3A_228 = arith.constant 16 : i32
      %shift_left3A_229 = vector.broadcast %shift_left3A_228 : i32 to vector<16xi32>
      %shift_left3A_230 = arith.shli %get3A_227, %shift_left3A_229 : vector<16xi32>
      %bitcast_convert_type3A_231 = tpu.bitcast %shift_left3A_230 : vector<16xi32> -> vector<16xf32>
      %and3A_232 = arith.andi %get3A_227, %broadcast_in_dim3A_46 : vector<16xi32>
      %bitcast_convert_type3A_233 = tpu.bitcast %and3A_232 : vector<16xi32> -> vector<16xf32>
      %get3A_234 = arith.index_cast %scan3A_168 : i32 to index
      %get3A_235 = arith.constant 32 : index
      %get3A_236 = tpu.vector_load %arg9[%get3A_234, %get3A_235] {strides = array<i32>} : memref<72x128xf32, #tpu.memory_space<vmem>>, vector<1x16xf32>,
      %get3A_237 = vector.shape_cast %get3A_236 : vector<1x16xf32> to vector<16xf32>
      %get3A_238 = arith.index_cast %scan3A_168 : i32 to index
      %get3A_239 = arith.constant 96 : index
      %get3A_240 = tpu.vector_load %arg9[%get3A_238, %get3A_239] {strides = array<i32>} : memref<72x128xf32, #tpu.memory_space<vmem>>, vector<1x16xf32>,
      %get3A_241 = vector.shape_cast %get3A_240 : vector<1x16xf32> to vector<16xf32>
      %mul3A_242 = arith.mulf %bitcast_convert_type3A_231, %get3A_237 : vector<16xf32>
      %swap3A_243 = arith.index_cast %scan3A_168 : i32 to index
      %swap3A_244 = arith.constant 32 : index
      %swap3A_245 = tpu.vector_load %arg11[%swap3A_243, %swap3A_244] {strides = array<i32>} : memref<72x128xf32, #tpu.memory_space<vmem>>, vector<1x16xf32>,
      %swap3A_246 = vector.shape_cast %swap3A_245 : vector<1x16xf32> to vector<16xf32>
      %swap3A_247 = vector.shape_cast %mul3A_242 : vector<16xf32> to vector<1x16xf32>
      tpu.vector_store %arg11[%swap3A_243, %swap3A_244], %swap3A_247 {strides = array<i32>} : memref<72x128xf32, #tpu.memory_space<vmem>>, vector<1x16xf32>,
      %mul3A_248 = arith.mulf %bitcast_convert_type3A_233, %get3A_241 : vector<16xf32>
      %swap3A_249 = arith.index_cast %scan3A_168 : i32 to index
      %swap3A_250 = arith.constant 96 : index
      %swap3A_251 = tpu.vector_load %arg11[%swap3A_249, %swap3A_250] {strides = array<i32>} : memref<72x128xf32, #tpu.memory_space<vmem>>, vector<1x16xf32>,
      %swap3A_252 = vector.shape_cast %swap3A_251 : vector<1x16xf32> to vector<16xf32>
      %swap3A_253 = vector.shape_cast %mul3A_248 : vector<16xf32> to vector<1x16xf32>
      tpu.vector_store %arg11[%swap3A_249, %swap3A_250], %swap3A_253 {strides = array<i32>} : memref<72x128xf32, #tpu.memory_space<vmem>>, vector<1x16xf32>,
      %get3A_254 = arith.index_cast %scan3A_168 : i32 to index
      %get3A_255 = arith.constant 48 : index
      %get3A_256 = tpu.vector_load %arg7[%get3A_254, %get3A_255] {strides = array<i32>} : memref<72x64xi32, #tpu.memory_space<vmem>>, vector<1x16xi32>,
      %get3A_257 = vector.shape_cast %get3A_256 : vector<1x16xi32> to vector<16xi32>
      %shift_left3A_258 = arith.constant 16 : i32
      %shift_left3A_259 = vector.broadcast %shift_left3A_258 : i32 to vector<16xi32>
      %shift_left3A_260 = arith.shli %get3A_257, %shift_left3A_259 : vector<16xi32>
      %bitcast_convert_type3A_261 = tpu.bitcast %shift_left3A_260 : vector<16xi32> -> vector<16xf32>
      %and3A_262 = arith.andi %get3A_257, %broadcast_in_dim3A_46 : vector<16xi32>
      %bitcast_convert_type3A_263 = tpu.bitcast %and3A_262 : vector<16xi32> -> vector<16xf32>
      %get3A_264 = arith.index_cast %scan3A_168 : i32 to index
      %get3A_265 = arith.constant 48 : index
      %get3A_266 = tpu.vector_load %arg9[%get3A_264, %get3A_265] {strides = array<i32>} : memref<72x128xf32, #tpu.memory_space<vmem>>, vector<1x16xf32>,
      %get3A_267 = vector.shape_cast %get3A_266 : vector<1x16xf32> to vector<16xf32>
      %get3A_268 = arith.index_cast %scan3A_168 : i32 to index
      %get3A_269 = arith.constant 112 : index
      %get3A_270 = tpu.vector_load %arg9[%get3A_268, %get3A_269] {strides = array<i32>} : memref<72x128xf32, #tpu.memory_space<vmem>>, vector<1x16xf32>,
      %get3A_271 = vector.shape_cast %get3A_270 : vector<1x16xf32> to vector<16xf32>
      %mul3A_272 = arith.mulf %bitcast_convert_type3A_261, %get3A_267 : vector<16xf32>
      %swap3A_273 = arith.index_cast %scan3A_168 : i32 to index
      %swap3A_274 = arith.constant 48 : index
      %swap3A_275 = tpu.vector_load %arg11[%swap3A_273, %swap3A_274] {strides = array<i32>} : memref<72x128xf32, #tpu.memory_space<vmem>>, vector<1x16xf32>,
      %swap3A_276 = vector.shape_cast %swap3A_275 : vector<1x16xf32> to vector<16xf32>
      %swap3A_277 = vector.shape_cast %mul3A_272 : vector<16xf32> to vector<1x16xf32>
      tpu.vector_store %arg11[%swap3A_273, %swap3A_274], %swap3A_277 {strides = array<i32>} : memref<72x128xf32, #tpu.memory_space<vmem>>, vector<1x16xf32>,
      %mul3A_278 = arith.mulf %bitcast_convert_type3A_263, %get3A_271 : vector<16xf32>
      %swap3A_279 = arith.index_cast %scan3A_168 : i32 to index
      %swap3A_280 = arith.constant 112 : index
      %swap3A_281 = tpu.vector_load %arg11[%swap3A_279, %swap3A_280] {strides = array<i32>} : memref<72x128xf32, #tpu.memory_space<vmem>>, vector<1x16xf32>,
      %swap3A_282 = vector.shape_cast %swap3A_281 : vector<1x16xf32> to vector<16xf32>
      %swap3A_283 = vector.shape_cast %mul3A_278 : vector<16xf32> to vector<1x16xf32>
      tpu.vector_store %arg11[%swap3A_279, %swap3A_280], %swap3A_283 {strides = array<i32>} : memref<72x128xf32, #tpu.memory_space<vmem>>, vector<1x16xf32>,
    }
    %scan3A_159 = arith.constant 16 : i32
    "tpu.region"() ({
      %run_scoped3A = tpu.sem_alloc : memref<!tpu.dma_semaphore, #tpu.memory_space<semaphore_mem>>
      %dma_start3A_168 = arith.constant 0 : i32
      %dma_start3A_169 = arith.constant 0 : i32
      %dma_start3A_170 = tpu.memref_slice %arg11[%dma_start3A_168, %dma_start3A_169] : memref<72x128xf32, #tpu.memory_space<vmem>> -> memref<16x128xf32, #tpu.memory_space<vmem>>
      %dma_start3A_171 = arith.constant 0 : i32
      %dma_start3A_172 = arith.constant 0 : i32
      %dma_start3A_173 = tpu.memref_slice %arg18[%dma_start3A_171, %dma_start3A_172] : memref<10000x128xf32, #tpu.memory_space<vmem_shared>> -> memref<10000x128xf32, #tpu.memory_space<vmem_shared>>
      tpu.enqueue_indirect_dma source(%dma_start3A_170 : memref<16x128xf32, #tpu.memory_space<vmem>>) target(%dma_start3A_173 : memref<10000x128xf32, #tpu.memory_space<vmem_shared>>) offsets(%arg17 : memref<16xi32, #tpu.memory_space<vmem>>) semaphore(%run_scoped3A : memref<!tpu.dma_semaphore, #tpu.memory_space<semaphore_mem>>) {add = true}
      %dma_wait3A_174 = arith.constant 0 : i32
      %dma_wait3A_175 = arith.constant 0 : i32
      %dma_wait3A_176 = tpu.memref_slice %arg11[%dma_wait3A_174, %dma_wait3A_175] : memref<72x128xf32, #tpu.memory_space<vmem>> -> memref<16x128xf32, #tpu.memory_space<vmem>>
      %dma_wait3A_177 = arith.constant 0 : i32
      %dma_wait3A_178 = arith.constant 0 : i32
      %dma_wait3A_179 = tpu.memref_slice %arg18[%dma_wait3A_177, %dma_wait3A_178] : memref<10000x128xf32, #tpu.memory_space<vmem_shared>> -> memref<10000x128xf32, #tpu.memory_space<vmem_shared>>
      tpu.wait_indirect_dma semaphore(%run_scoped3A : memref<!tpu.dma_semaphore, #tpu.memory_space<semaphore_mem>>) src(%dma_wait3A_176 : memref<16x128xf32, #tpu.memory_space<vmem>>) dst(%dma_wait3A_179 : memref<10000x128xf32, #tpu.memory_space<vmem_shared>>)
      tpu.yield
    }) : () -> ()
    %barrier3A_160 = arith.constant 0 : index
    tpu.barrier barrier_id(%barrier3A_160)
    %mul3A_161 = arith.constant 624 : i32
    %mul3A_162 = arith.muli %arg1, %mul3A_161 : i32
    "tpu.region"() ({
      %run_scoped3A = tpu.sem_alloc : memref<!tpu.dma_semaphore, #tpu.memory_space<semaphore_mem>>
      %dma_start3A_168 = arith.constant 0 : i32
      %dma_start3A_169 = tpu.memref_slice %arg6[%arg0, %mul3A_162, %dma_start3A_168] : memref<2x10000x128xf32, #tpu.memory_space<hbm>> -> memref<1x624x128xf32, #tpu.memory_space<hbm>>
      %dma_start3A_170 = tpu.memref_squeeze %dma_start3A_169 : memref<1x624x128xf32, #tpu.memory_space<hbm>> -> memref<624x128xf32, #tpu.memory_space<hbm>>
      %dma_start3A_171 = arith.constant 0 : i32
      %dma_start3A_172 = tpu.memref_slice %arg18[%mul3A_162, %dma_start3A_171] : memref<10000x128xf32, #tpu.memory_space<vmem_shared>> -> memref<624x128xf32, #tpu.memory_space<vmem_shared>>
      tpu.enqueue_dma source(%dma_start3A_172 : memref<624x128xf32, #tpu.memory_space<vmem_shared>>) target(%dma_start3A_170 : memref<624x128xf32, #tpu.memory_space<hbm>>) target_semaphore(%run_scoped3A : memref<!tpu.dma_semaphore, #tpu.memory_space<semaphore_mem>>)
      %dma_wait3A_173 = arith.constant 0 : i32
      %dma_wait3A_174 = tpu.memref_slice %arg6[%arg0, %mul3A_162, %dma_wait3A_173] : memref<2x10000x128xf32, #tpu.memory_space<hbm>> -> memref<1x624x128xf32, #tpu.memory_space<hbm>>
      %dma_wait3A_175 = tpu.memref_squeeze %dma_wait3A_174 : memref<1x624x128xf32, #tpu.memory_space<hbm>> -> memref<624x128xf32, #tpu.memory_space<hbm>>
      %dma_wait3A_176 = arith.constant 0 : i32
      %dma_wait3A_177 = tpu.memref_slice %arg18[%mul3A_162, %dma_wait3A_176] : memref<10000x128xf32, #tpu.memory_space<vmem_shared>> -> memref<624x128xf32, #tpu.memory_space<vmem_shared>>
      tpu.wait_dma2 semaphore(%run_scoped3A : memref<!tpu.dma_semaphore, #tpu.memory_space<semaphore_mem>>) src(%dma_wait3A_177 : memref<624x128xf32, #tpu.memory_space<vmem_shared>>) dst(%dma_wait3A_175 : memref<624x128xf32, #tpu.memory_space<hbm>>)
      tpu.yield
    }) : () -> ()
    %eq3A_163 = arith.constant 0 : i32
    %eq3A_164 = arith.cmpi eq, %arg1, %eq3A_163 : i32
    %convert_element_type3A_165 = arith.extui %eq3A_164 : i1 to i32
    %cond3A_166 = arith.constant 0 : i32
    %cond3A_167 = arith.cmpi ne, %convert_element_type3A_165, %cond3A_166 : i32
    scf.if %cond3A_167 {
      "tpu.region"() ({
        %run_scoped3A = tpu.sem_alloc : memref<!tpu.dma_semaphore, #tpu.memory_space<semaphore_mem>>
        %dma_start3A_168 = arith.constant 9984 : i32
        %dma_start3A_169 = arith.constant 0 : i32
        %dma_start3A_170 = tpu.memref_slice %arg6[%arg0, %dma_start3A_168, %dma_start3A_169] : memref<2x10000x128xf32, #tpu.memory_space<hbm>> -> memref<1x16x128xf32, #tpu.memory_space<hbm>>
        %dma_start3A_171 = tpu.memref_squeeze %dma_start3A_170 : memref<1x16x128xf32, #tpu.memory_space<hbm>> -> memref<16x128xf32, #tpu.memory_space<hbm>>
        %dma_start3A_172 = arith.constant 9984 : i32
        %dma_start3A_173 = arith.constant 0 : i32
        %dma_start3A_174 = tpu.memref_slice %arg18[%dma_start3A_172, %dma_start3A_173] : memref<10000x128xf32, #tpu.memory_space<vmem_shared>> -> memref<16x128xf32, #tpu.memory_space<vmem_shared>>
        tpu.enqueue_dma source(%dma_start3A_174 : memref<16x128xf32, #tpu.memory_space<vmem_shared>>) target(%dma_start3A_171 : memref<16x128xf32, #tpu.memory_space<hbm>>) target_semaphore(%run_scoped3A : memref<!tpu.dma_semaphore, #tpu.memory_space<semaphore_mem>>)
        %dma_wait3A_175 = arith.constant 9984 : i32
        %dma_wait3A_176 = arith.constant 0 : i32
        %dma_wait3A_177 = tpu.memref_slice %arg6[%arg0, %dma_wait3A_175, %dma_wait3A_176] : memref<2x10000x128xf32, #tpu.memory_space<hbm>> -> memref<1x16x128xf32, #tpu.memory_space<hbm>>
        %dma_wait3A_178 = tpu.memref_squeeze %dma_wait3A_177 : memref<1x16x128xf32, #tpu.memory_space<hbm>> -> memref<16x128xf32, #tpu.memory_space<hbm>>
        %dma_wait3A_179 = arith.constant 9984 : i32
        %dma_wait3A_180 = arith.constant 0 : i32
        %dma_wait3A_181 = tpu.memref_slice %arg18[%dma_wait3A_179, %dma_wait3A_180] : memref<10000x128xf32, #tpu.memory_space<vmem_shared>> -> memref<16x128xf32, #tpu.memory_space<vmem_shared>>
        tpu.wait_dma2 semaphore(%run_scoped3A : memref<!tpu.dma_semaphore, #tpu.memory_space<semaphore_mem>>) src(%dma_wait3A_181 : memref<16x128xf32, #tpu.memory_space<vmem_shared>>) dst(%dma_wait3A_178 : memref<16x128xf32, #tpu.memory_space<hbm>>)
        tpu.yield
      }) : () -> ()
    } else {
    }
    return
  }
}

module attributes {stable_mosaic.version = 14 : i64} {
  func.func @_a2_body(%arg0: i32, %arg1: memref<64x12800xf32, #tpu.memory_space<vmem>>, %arg2: memref<64x64xf32, #tpu.memory_space<vmem>>, %arg3: memref<64x64xf32, #tpu.memory_space<vmem>>, %arg4: memref<12800x64xi32, #tpu.memory_space<vmem>>) attributes {dimension_semantics = [#tpu.dimension_semantics<arbitrary>], iteration_bounds = array<i64: 25>, scalar_prefetch = 0 : i64, scratch_operands = 0 : i64, tpu.core_type = #tpu.core_type<tc>, window_params = [{transform_indices = @transform_0, window_bounds = array<i64: 64, 12800>}, {transform_indices = @transform_1, window_bounds = array<i64: 64, 64>}, {transform_indices = @transform_2, window_bounds = array<i64: 64, 64>}, {transform_indices = @transform_3, window_bounds = array<i64: 12800, 64>}]} {
    %get3A = arith.constant 0 : index
    %get3A_0 = arith.constant 0 : index
    %get3A_1 = vector.load %arg1[%get3A, %get3A_0] : memref<64x12800xf32, #tpu.memory_space<vmem>>, vector<64x12800xf32>
    %get3A_2 = arith.constant 0 : index
    %get3A_3 = arith.constant 0 : index
    %get3A_4 = vector.load %arg2[%get3A_2, %get3A_3] : memref<64x64xf32, #tpu.memory_space<vmem>>, vector<64x64xf32>
    %dot_general3A = arith.constant dense<0.000000e+00> : vector<12800x64xf32>
    %dot_general3A_5 = tpu.matmul %get3A_1, %get3A_4, %dot_general3A {dimension_numbers = #tpu.dot_dimension_numbers<[0], [1], [1], [0], [0, 1, 1, 0], [], []>, transpose_lhs_hint = false} : vector<64x12800xf32>, vector<64x64xf32>, vector<12800x64xf32> -> vector<12800x64xf32>
    %get3A_6 = arith.constant 0 : index
    %get3A_7 = arith.constant 0 : index
    %get3A_8 = vector.load %arg3[%get3A_6, %get3A_7] : memref<64x64xf32, #tpu.memory_space<vmem>>, vector<64x64xf32>
    %dot_general3A_9 = arith.constant dense<0.000000e+00> : vector<12800x64xf32>
    %dot_general3A_10 = tpu.matmul %get3A_1, %get3A_8, %dot_general3A_9 {dimension_numbers = #tpu.dot_dimension_numbers<[0], [1], [1], [0], [0, 1, 1, 0], [], []>, transpose_lhs_hint = false} : vector<64x12800xf32>, vector<64x64xf32>, vector<12800x64xf32> -> vector<12800x64xf32>
    %convert_element_type3A = arith.truncf %dot_general3A_10 : vector<12800x64xf32> to vector<12800x64xbf16>
    %convert_element_type3A_11 = arith.extf %convert_element_type3A : vector<12800x64xbf16> to vector<12800x64xf32>
    %bitcast_convert_type3A = tpu.bitcast %convert_element_type3A_11 : vector<12800x64xf32> -> vector<12800x64xi32>
    %convert_element_type3A_12 = arith.truncf %dot_general3A_5 : vector<12800x64xf32> to vector<12800x64xbf16>
    %convert_element_type3A_13 = arith.extf %convert_element_type3A_12 : vector<12800x64xbf16> to vector<12800x64xf32>
    %bitcast_convert_type3A_14 = tpu.bitcast %convert_element_type3A_13 : vector<12800x64xf32> -> vector<12800x64xi32>
    %shift_right_logical3A = arith.constant 16 : i32
    %shift_right_logical3A_15 = vector.broadcast %shift_right_logical3A : i32 to vector<12800x64xi32>
    %shift_right_logical3A_16 = arith.shrui %bitcast_convert_type3A_14, %shift_right_logical3A_15 : vector<12800x64xi32>
    %or3A = arith.ori %bitcast_convert_type3A, %shift_right_logical3A_16 : vector<12800x64xi32>
    %swap3A = arith.constant 0 : index
    %swap3A_17 = arith.constant 0 : index
    %swap3A_18 = vector.load %arg4[%swap3A, %swap3A_17] : memref<12800x64xi32, #tpu.memory_space<vmem>>, vector<12800x64xi32>
    tpu.vector_store %arg4[%swap3A, %swap3A_17], %or3A {strides = array<i32>} : memref<12800x64xi32, #tpu.memory_space<vmem>>, vector<12800x64xi32>,
    return
  }
  func.func @transform_0(%arg0: i32) -> (i32, i32) {
    %add3A = arith.constant 0 : i32
    %add3A_0 = arith.addi %add3A, %arg0 : i32
    %c0_i32 = arith.constant 0 : i32
    %c0_i32_1 = arith.constant 0 : i32
    return %c0_i32, %add3A_0 : i32, i32
  }
  func.func @transform_1(%arg0: i32) -> (i32, i32) {
    %c0_i32 = arith.constant 0 : i32
    %c0_i32_0 = arith.constant 0 : i32
    %c0_i32_1 = arith.constant 0 : i32
    return %c0_i32, %c0_i32_0 : i32, i32
  }
  func.func @transform_2(%arg0: i32) -> (i32, i32) {
    %c1_i32 = arith.constant 1 : i32
    %c0_i32 = arith.constant 0 : i32
    %c0_i32_0 = arith.constant 0 : i32
    return %c1_i32, %c0_i32 : i32, i32
  }
  func.func @transform_3(%arg0: i32) -> (i32, i32) {
    %c0_i32 = arith.constant 0 : i32
    %c0_i32_0 = arith.constant 0 : i32
    return %arg0, %c0_i32 : i32, i32
  }
}

module attributes {stable_mosaic.version = 14 : i64} {
  func.func @_c_body(%arg0: i32, %arg1: memref<2000x128xf32, #tpu.memory_space<vmem>>, %arg2: memref<2x2000x128xf32, #tpu.memory_space<vmem>>, %arg3: memref<2000x128xf32, #tpu.memory_space<vmem>>, %arg4: memref<3x128x128xf32, #tpu.memory_space<vmem>>, %arg5: memref<3x1x128xf32, #tpu.memory_space<vmem>>, %arg6: memref<3x128x128xf32, #tpu.memory_space<vmem>>, %arg7: memref<3x1x128xf32, #tpu.memory_space<vmem>>, %arg8: memref<128x128xf32, #tpu.memory_space<vmem>>, %arg9: memref<1x128xf32, #tpu.memory_space<vmem>>, %arg10: memref<1x128xf32, #tpu.memory_space<vmem>>, %arg11: memref<2x128x128xf32, #tpu.memory_space<vmem>>, %arg12: memref<2x1x128xf32, #tpu.memory_space<vmem>>, %arg13: memref<2x128x128xf32, #tpu.memory_space<vmem>>, %arg14: memref<2x1x128xf32, #tpu.memory_space<vmem>>, %arg15: memref<2000x128xf32, #tpu.memory_space<vmem>>) attributes {dimension_semantics = [#tpu.dimension_semantics<arbitrary>], iteration_bounds = array<i64: 5>, scalar_prefetch = 0 : i64, scratch_operands = 0 : i64, tpu.core_type = #tpu.core_type<tc>, window_params = [{transform_indices = @transform_0, window_bounds = array<i64: 2000, 128>}, {transform_indices = @transform_1, window_bounds = array<i64: 2, 2000, 128>}, {transform_indices = @transform_2, window_bounds = array<i64: 2000, 128>}, {pipeline_mode = #tpu.pipeline_mode<synchronous>, transform_indices = @transform_3, window_bounds = array<i64: 3, 128, 128>}, {pipeline_mode = #tpu.pipeline_mode<synchronous>, transform_indices = @transform_4, window_bounds = array<i64: 3, 1, 128>}, {pipeline_mode = #tpu.pipeline_mode<synchronous>, transform_indices = @transform_5, window_bounds = array<i64: 3, 128, 128>}, {pipeline_mode = #tpu.pipeline_mode<synchronous>, transform_indices = @transform_6, window_bounds = array<i64: 3, 1, 128>}, {pipeline_mode = #tpu.pipeline_mode<synchronous>, transform_indices = @transform_7, window_bounds = array<i64: 128, 128>}, {pipeline_mode = #tpu.pipeline_mode<synchronous>, transform_indices = @transform_8, window_bounds = array<i64: 1, 128>}, {pipeline_mode = #tpu.pipeline_mode<synchronous>, transform_indices = @transform_9, window_bounds = array<i64: 1, 128>}, {pipeline_mode = #tpu.pipeline_mode<synchronous>, transform_indices = @transform_10, window_bounds = array<i64: 2, 128, 128>}, {pipeline_mode = #tpu.pipeline_mode<synchronous>, transform_indices = @transform_11, window_bounds = array<i64: 2, 1, 128>}, {pipeline_mode = #tpu.pipeline_mode<synchronous>, transform_indices = @transform_12, window_bounds = array<i64: 2, 128, 128>}, {pipeline_mode = #tpu.pipeline_mode<synchronous>, transform_indices = @transform_13, window_bounds = array<i64: 2, 1, 128>}, {transform_indices = @transform_14, window_bounds = array<i64: 2000, 128>}]} {
    %get3A = arith.constant 0 : index
    %get3A_0 = arith.constant 0 : index
    %get3A_1 = vector.load %arg1[%get3A, %get3A_0] : memref<2000x128xf32, #tpu.memory_space<vmem>>, vector<2000x128xf32>
    %get3A_2 = arith.constant 0 : index
    %get3A_3 = arith.constant 0 : index
    %get3A_4 = arith.constant 0 : index
    %get3A_5 = vector.load %arg2[%get3A_2, %get3A_3, %get3A_4] : memref<2x2000x128xf32, #tpu.memory_space<vmem>>, vector<1x2000x128xf32>
    %get3A_6 = vector.shape_cast %get3A_5 : vector<1x2000x128xf32> to vector<2000x128xf32>
    %get3A_7 = arith.constant 1 : index
    %get3A_8 = arith.constant 0 : index
    %get3A_9 = arith.constant 0 : index
    %get3A_10 = vector.load %arg2[%get3A_7, %get3A_8, %get3A_9] : memref<2x2000x128xf32, #tpu.memory_space<vmem>>, vector<1x2000x128xf32>
    %get3A_11 = vector.shape_cast %get3A_10 : vector<1x2000x128xf32> to vector<2000x128xf32>
    %add3A = arith.addf %get3A_6, %get3A_11 : vector<2000x128xf32>
    %add3A_12 = arith.addf %get3A_1, %add3A : vector<2000x128xf32>
    %logistic3A = arith.negf %add3A_12 : vector<2000x128xf32>
    %logistic3A_13 = math.exp %logistic3A : vector<2000x128xf32>
    %logistic3A_14 = arith.constant 1.000000e+00 : f32
    %logistic3A_15 = vector.broadcast %logistic3A_14 : f32 to vector<2000x128xf32>
    %logistic3A_16 = arith.addf %logistic3A_15, %logistic3A_13 : vector<2000x128xf32>
    %logistic3A_17 = arith.divf %logistic3A_15, %logistic3A_16 : vector<2000x128xf32>
    %mul3A = arith.mulf %add3A_12, %logistic3A_17 : vector<2000x128xf32>
    %get3A_18 = arith.constant 0 : index
    %get3A_19 = arith.constant 0 : index
    %get3A_20 = arith.constant 0 : index
    %get3A_21 = vector.load %arg4[%get3A_18, %get3A_19, %get3A_20] : memref<3x128x128xf32, #tpu.memory_space<vmem>>, vector<1x128x128xf32>
    %get3A_22 = vector.shape_cast %get3A_21 : vector<1x128x128xf32> to vector<128x128xf32>
    %dot_general3A = arith.constant dense<0.000000e+00> : vector<2000x128xf32>
    %dot_general3A_23 = tpu.matmul %mul3A, %get3A_22, %dot_general3A {dimension_numbers = #tpu.dot_dimension_numbers<[1], [1], [0], [0], [0, 0, 1, 0], [], []>, transpose_lhs_hint = false} : vector<2000x128xf32>, vector<128x128xf32>, vector<2000x128xf32> -> vector<2000x128xf32>
    %get3A_24 = arith.constant 0 : index
    %get3A_25 = arith.constant 0 : index
    %get3A_26 = arith.constant 0 : index
    %get3A_27 = vector.load %arg5[%get3A_24, %get3A_25, %get3A_26] : memref<3x1x128xf32, #tpu.memory_space<vmem>>, vector<1x1x128xf32>
    %get3A_28 = vector.shape_cast %get3A_27 : vector<1x1x128xf32> to vector<1x128xf32>
    %add3A_29 = vector.broadcast %get3A_28 : vector<1x128xf32> to vector<2000x128xf32>
    %add3A_30 = arith.addf %dot_general3A_23, %add3A_29 : vector<2000x128xf32>
    %logistic3A_31 = arith.negf %add3A_30 : vector<2000x128xf32>
    %logistic3A_32 = math.exp %logistic3A_31 : vector<2000x128xf32>
    %logistic3A_33 = arith.constant 1.000000e+00 : f32
    %logistic3A_34 = vector.broadcast %logistic3A_33 : f32 to vector<2000x128xf32>
    %logistic3A_35 = arith.addf %logistic3A_34, %logistic3A_32 : vector<2000x128xf32>
    %logistic3A_36 = arith.divf %logistic3A_34, %logistic3A_35 : vector<2000x128xf32>
    %mul3A_37 = arith.mulf %add3A_30, %logistic3A_36 : vector<2000x128xf32>
    %get3A_38 = arith.constant 0 : index
    %get3A_39 = arith.constant 0 : index
    %get3A_40 = arith.constant 0 : index
    %get3A_41 = vector.load %arg6[%get3A_38, %get3A_39, %get3A_40] : memref<3x128x128xf32, #tpu.memory_space<vmem>>, vector<1x128x128xf32>
    %get3A_42 = vector.shape_cast %get3A_41 : vector<1x128x128xf32> to vector<128x128xf32>
    %dot_general3A_43 = arith.constant dense<0.000000e+00> : vector<2000x128xf32>
    %dot_general3A_44 = tpu.matmul %mul3A_37, %get3A_42, %dot_general3A_43 {dimension_numbers = #tpu.dot_dimension_numbers<[1], [1], [0], [0], [0, 0, 1, 0], [], []>, transpose_lhs_hint = false} : vector<2000x128xf32>, vector<128x128xf32>, vector<2000x128xf32> -> vector<2000x128xf32>
    %add3A_45 = arith.addf %add3A_12, %dot_general3A_44 : vector<2000x128xf32>
    %get3A_46 = arith.constant 0 : index
    %get3A_47 = arith.constant 0 : index
    %get3A_48 = arith.constant 0 : index
    %get3A_49 = vector.load %arg7[%get3A_46, %get3A_47, %get3A_48] : memref<3x1x128xf32, #tpu.memory_space<vmem>>, vector<1x1x128xf32>
    %get3A_50 = vector.shape_cast %get3A_49 : vector<1x1x128xf32> to vector<1x128xf32>
    %add3A_51 = vector.broadcast %get3A_50 : vector<1x128xf32> to vector<2000x128xf32>
    %add3A_52 = arith.addf %add3A_45, %add3A_51 : vector<2000x128xf32>
    %logistic3A_53 = arith.negf %add3A_52 : vector<2000x128xf32>
    %logistic3A_54 = math.exp %logistic3A_53 : vector<2000x128xf32>
    %logistic3A_55 = arith.constant 1.000000e+00 : f32
    %logistic3A_56 = vector.broadcast %logistic3A_55 : f32 to vector<2000x128xf32>
    %logistic3A_57 = arith.addf %logistic3A_56, %logistic3A_54 : vector<2000x128xf32>
    %logistic3A_58 = arith.divf %logistic3A_56, %logistic3A_57 : vector<2000x128xf32>
    %mul3A_59 = arith.mulf %add3A_52, %logistic3A_58 : vector<2000x128xf32>
    %get3A_60 = arith.constant 1 : index
    %get3A_61 = arith.constant 0 : index
    %get3A_62 = arith.constant 0 : index
    %get3A_63 = vector.load %arg4[%get3A_60, %get3A_61, %get3A_62] : memref<3x128x128xf32, #tpu.memory_space<vmem>>, vector<1x128x128xf32>
    %get3A_64 = vector.shape_cast %get3A_63 : vector<1x128x128xf32> to vector<128x128xf32>
    %dot_general3A_65 = arith.constant dense<0.000000e+00> : vector<2000x128xf32>
    %dot_general3A_66 = tpu.matmul %mul3A_59, %get3A_64, %dot_general3A_65 {dimension_numbers = #tpu.dot_dimension_numbers<[1], [1], [0], [0], [0, 0, 1, 0], [], []>, transpose_lhs_hint = false} : vector<2000x128xf32>, vector<128x128xf32>, vector<2000x128xf32> -> vector<2000x128xf32>
    %get3A_67 = arith.constant 1 : index
    %get3A_68 = arith.constant 0 : index
    %get3A_69 = arith.constant 0 : index
    %get3A_70 = vector.load %arg5[%get3A_67, %get3A_68, %get3A_69] : memref<3x1x128xf32, #tpu.memory_space<vmem>>, vector<1x1x128xf32>
    %get3A_71 = vector.shape_cast %get3A_70 : vector<1x1x128xf32> to vector<1x128xf32>
    %add3A_72 = vector.broadcast %get3A_71 : vector<1x128xf32> to vector<2000x128xf32>
    %add3A_73 = arith.addf %dot_general3A_66, %add3A_72 : vector<2000x128xf32>
    %logistic3A_74 = arith.negf %add3A_73 : vector<2000x128xf32>
    %logistic3A_75 = math.exp %logistic3A_74 : vector<2000x128xf32>
    %logistic3A_76 = arith.constant 1.000000e+00 : f32
    %logistic3A_77 = vector.broadcast %logistic3A_76 : f32 to vector<2000x128xf32>
    %logistic3A_78 = arith.addf %logistic3A_77, %logistic3A_75 : vector<2000x128xf32>
    %logistic3A_79 = arith.divf %logistic3A_77, %logistic3A_78 : vector<2000x128xf32>
    %mul3A_80 = arith.mulf %add3A_73, %logistic3A_79 : vector<2000x128xf32>
    %get3A_81 = arith.constant 1 : index
    %get3A_82 = arith.constant 0 : index
    %get3A_83 = arith.constant 0 : index
    %get3A_84 = vector.load %arg6[%get3A_81, %get3A_82, %get3A_83] : memref<3x128x128xf32, #tpu.memory_space<vmem>>, vector<1x128x128xf32>
    %get3A_85 = vector.shape_cast %get3A_84 : vector<1x128x128xf32> to vector<128x128xf32>
    %dot_general3A_86 = arith.constant dense<0.000000e+00> : vector<2000x128xf32>
    %dot_general3A_87 = tpu.matmul %mul3A_80, %get3A_85, %dot_general3A_86 {dimension_numbers = #tpu.dot_dimension_numbers<[1], [1], [0], [0], [0, 0, 1, 0], [], []>, transpose_lhs_hint = false} : vector<2000x128xf32>, vector<128x128xf32>, vector<2000x128xf32> -> vector<2000x128xf32>
    %add3A_88 = arith.addf %add3A_52, %dot_general3A_87 : vector<2000x128xf32>
    %get3A_89 = arith.constant 1 : index
    %get3A_90 = arith.constant 0 : index
    %get3A_91 = arith.constant 0 : index
    %get3A_92 = vector.load %arg7[%get3A_89, %get3A_90, %get3A_91] : memref<3x1x128xf32, #tpu.memory_space<vmem>>, vector<1x1x128xf32>
    %get3A_93 = vector.shape_cast %get3A_92 : vector<1x1x128xf32> to vector<1x128xf32>
    %add3A_94 = vector.broadcast %get3A_93 : vector<1x128xf32> to vector<2000x128xf32>
    %add3A_95 = arith.addf %add3A_88, %add3A_94 : vector<2000x128xf32>
    %logistic3A_96 = arith.negf %add3A_95 : vector<2000x128xf32>
    %logistic3A_97 = math.exp %logistic3A_96 : vector<2000x128xf32>
    %logistic3A_98 = arith.constant 1.000000e+00 : f32
    %logistic3A_99 = vector.broadcast %logistic3A_98 : f32 to vector<2000x128xf32>
    %logistic3A_100 = arith.addf %logistic3A_99, %logistic3A_97 : vector<2000x128xf32>
    %logistic3A_101 = arith.divf %logistic3A_99, %logistic3A_100 : vector<2000x128xf32>
    %mul3A_102 = arith.mulf %add3A_95, %logistic3A_101 : vector<2000x128xf32>
    %get3A_103 = arith.constant 2 : index
    %get3A_104 = arith.constant 0 : index
    %get3A_105 = arith.constant 0 : index
    %get3A_106 = vector.load %arg4[%get3A_103, %get3A_104, %get3A_105] : memref<3x128x128xf32, #tpu.memory_space<vmem>>, vector<1x128x128xf32>
    %get3A_107 = vector.shape_cast %get3A_106 : vector<1x128x128xf32> to vector<128x128xf32>
    %dot_general3A_108 = arith.constant dense<0.000000e+00> : vector<2000x128xf32>
    %dot_general3A_109 = tpu.matmul %mul3A_102, %get3A_107, %dot_general3A_108 {dimension_numbers = #tpu.dot_dimension_numbers<[1], [1], [0], [0], [0, 0, 1, 0], [], []>, transpose_lhs_hint = false} : vector<2000x128xf32>, vector<128x128xf32>, vector<2000x128xf32> -> vector<2000x128xf32>
    %get3A_110 = arith.constant 2 : index
    %get3A_111 = arith.constant 0 : index
    %get3A_112 = arith.constant 0 : index
    %get3A_113 = vector.load %arg5[%get3A_110, %get3A_111, %get3A_112] : memref<3x1x128xf32, #tpu.memory_space<vmem>>, vector<1x1x128xf32>
    %get3A_114 = vector.shape_cast %get3A_113 : vector<1x1x128xf32> to vector<1x128xf32>
    %add3A_115 = vector.broadcast %get3A_114 : vector<1x128xf32> to vector<2000x128xf32>
    %add3A_116 = arith.addf %dot_general3A_109, %add3A_115 : vector<2000x128xf32>
    %logistic3A_117 = arith.negf %add3A_116 : vector<2000x128xf32>
    %logistic3A_118 = math.exp %logistic3A_117 : vector<2000x128xf32>
    %logistic3A_119 = arith.constant 1.000000e+00 : f32
    %logistic3A_120 = vector.broadcast %logistic3A_119 : f32 to vector<2000x128xf32>
    %logistic3A_121 = arith.addf %logistic3A_120, %logistic3A_118 : vector<2000x128xf32>
    %logistic3A_122 = arith.divf %logistic3A_120, %logistic3A_121 : vector<2000x128xf32>
    %mul3A_123 = arith.mulf %add3A_116, %logistic3A_122 : vector<2000x128xf32>
    %get3A_124 = arith.constant 2 : index
    %get3A_125 = arith.constant 0 : index
    %get3A_126 = arith.constant 0 : index
    %get3A_127 = vector.load %arg6[%get3A_124, %get3A_125, %get3A_126] : memref<3x128x128xf32, #tpu.memory_space<vmem>>, vector<1x128x128xf32>
    %get3A_128 = vector.shape_cast %get3A_127 : vector<1x128x128xf32> to vector<128x128xf32>
    %dot_general3A_129 = arith.constant dense<0.000000e+00> : vector<2000x128xf32>
    %dot_general3A_130 = tpu.matmul %mul3A_123, %get3A_128, %dot_general3A_129 {dimension_numbers = #tpu.dot_dimension_numbers<[1], [1], [0], [0], [0, 0, 1, 0], [], []>, transpose_lhs_hint = false} : vector<2000x128xf32>, vector<128x128xf32>, vector<2000x128xf32> -> vector<2000x128xf32>
    %add3A_131 = arith.addf %add3A_95, %dot_general3A_130 : vector<2000x128xf32>
    %get3A_132 = arith.constant 2 : index
    %get3A_133 = arith.constant 0 : index
    %get3A_134 = arith.constant 0 : index
    %get3A_135 = vector.load %arg7[%get3A_132, %get3A_133, %get3A_134] : memref<3x1x128xf32, #tpu.memory_space<vmem>>, vector<1x1x128xf32>
    %get3A_136 = vector.shape_cast %get3A_135 : vector<1x1x128xf32> to vector<1x128xf32>
    %add3A_137 = vector.broadcast %get3A_136 : vector<1x128xf32> to vector<2000x128xf32>
    %add3A_138 = arith.addf %add3A_131, %add3A_137 : vector<2000x128xf32>
    %logistic3A_139 = arith.negf %add3A_138 : vector<2000x128xf32>
    %logistic3A_140 = math.exp %logistic3A_139 : vector<2000x128xf32>
    %logistic3A_141 = arith.constant 1.000000e+00 : f32
    %logistic3A_142 = vector.broadcast %logistic3A_141 : f32 to vector<2000x128xf32>
    %logistic3A_143 = arith.addf %logistic3A_142, %logistic3A_140 : vector<2000x128xf32>
    %logistic3A_144 = arith.divf %logistic3A_142, %logistic3A_143 : vector<2000x128xf32>
    %mul3A_145 = arith.mulf %add3A_138, %logistic3A_144 : vector<2000x128xf32>
    %get3A_146 = arith.constant 0 : index
    %get3A_147 = arith.constant 0 : index
    %get3A_148 = vector.load %arg10[%get3A_146, %get3A_147] : memref<1x128xf32, #tpu.memory_space<vmem>>, vector<1x128xf32>
    %get3A_149 = arith.constant 0 : index
    %get3A_150 = arith.constant 0 : index
    %get3A_151 = vector.load %arg3[%get3A_149, %get3A_150] : memref<2000x128xf32, #tpu.memory_space<vmem>>, vector<2000x128xf32>
    %mul3A_152 = vector.broadcast %get3A_148 : vector<1x128xf32> to vector<2000x128xf32>
    %mul3A_153 = arith.mulf %mul3A_152, %get3A_151 : vector<2000x128xf32>
    %get3A_154 = arith.constant 0 : index
    %get3A_155 = arith.constant 0 : index
    %get3A_156 = vector.load %arg8[%get3A_154, %get3A_155] : memref<128x128xf32, #tpu.memory_space<vmem>>, vector<128x128xf32>
    %dot_general3A_157 = arith.constant dense<0.000000e+00> : vector<2000x128xf32>
    %dot_general3A_158 = tpu.matmul %mul3A_145, %get3A_156, %dot_general3A_157 {dimension_numbers = #tpu.dot_dimension_numbers<[1], [1], [0], [0], [0, 0, 1, 0], [], []>, transpose_lhs_hint = false} : vector<2000x128xf32>, vector<128x128xf32>, vector<2000x128xf32> -> vector<2000x128xf32>
    %add3A_159 = arith.addf %mul3A_153, %dot_general3A_158 : vector<2000x128xf32>
    %get3A_160 = arith.constant 0 : index
    %get3A_161 = arith.constant 0 : index
    %get3A_162 = vector.load %arg9[%get3A_160, %get3A_161] : memref<1x128xf32, #tpu.memory_space<vmem>>, vector<1x128xf32>
    %add3A_163 = vector.broadcast %get3A_162 : vector<1x128xf32> to vector<2000x128xf32>
    %add3A_164 = arith.addf %add3A_159, %add3A_163 : vector<2000x128xf32>
    %logistic3A_165 = arith.negf %add3A_164 : vector<2000x128xf32>
    %logistic3A_166 = math.exp %logistic3A_165 : vector<2000x128xf32>
    %logistic3A_167 = arith.constant 1.000000e+00 : f32
    %logistic3A_168 = vector.broadcast %logistic3A_167 : f32 to vector<2000x128xf32>
    %logistic3A_169 = arith.addf %logistic3A_168, %logistic3A_166 : vector<2000x128xf32>
    %logistic3A_170 = arith.divf %logistic3A_168, %logistic3A_169 : vector<2000x128xf32>
    %mul3A_171 = arith.mulf %add3A_164, %logistic3A_170 : vector<2000x128xf32>
    %get3A_172 = arith.constant 0 : index
    %get3A_173 = arith.constant 0 : index
    %get3A_174 = arith.constant 0 : index
    %get3A_175 = vector.load %arg11[%get3A_172, %get3A_173, %get3A_174] : memref<2x128x128xf32, #tpu.memory_space<vmem>>, vector<1x128x128xf32>
    %get3A_176 = vector.shape_cast %get3A_175 : vector<1x128x128xf32> to vector<128x128xf32>
    %dot_general3A_177 = arith.constant dense<0.000000e+00> : vector<2000x128xf32>
    %dot_general3A_178 = tpu.matmul %mul3A_171, %get3A_176, %dot_general3A_177 {dimension_numbers = #tpu.dot_dimension_numbers<[1], [1], [0], [0], [0, 0, 1, 0], [], []>, transpose_lhs_hint = false} : vector<2000x128xf32>, vector<128x128xf32>, vector<2000x128xf32> -> vector<2000x128xf32>
    %get3A_179 = arith.constant 0 : index
    %get3A_180 = arith.constant 0 : index
    %get3A_181 = arith.constant 0 : index
    %get3A_182 = vector.load %arg12[%get3A_179, %get3A_180, %get3A_181] : memref<2x1x128xf32, #tpu.memory_space<vmem>>, vector<1x1x128xf32>
    %get3A_183 = vector.shape_cast %get3A_182 : vector<1x1x128xf32> to vector<1x128xf32>
    %add3A_184 = vector.broadcast %get3A_183 : vector<1x128xf32> to vector<2000x128xf32>
    %add3A_185 = arith.addf %dot_general3A_178, %add3A_184 : vector<2000x128xf32>
    %logistic3A_186 = arith.negf %add3A_185 : vector<2000x128xf32>
    %logistic3A_187 = math.exp %logistic3A_186 : vector<2000x128xf32>
    %logistic3A_188 = arith.constant 1.000000e+00 : f32
    %logistic3A_189 = vector.broadcast %logistic3A_188 : f32 to vector<2000x128xf32>
    %logistic3A_190 = arith.addf %logistic3A_189, %logistic3A_187 : vector<2000x128xf32>
    %logistic3A_191 = arith.divf %logistic3A_189, %logistic3A_190 : vector<2000x128xf32>
    %mul3A_192 = arith.mulf %add3A_185, %logistic3A_191 : vector<2000x128xf32>
    %get3A_193 = arith.constant 0 : index
    %get3A_194 = arith.constant 0 : index
    %get3A_195 = arith.constant 0 : index
    %get3A_196 = vector.load %arg13[%get3A_193, %get3A_194, %get3A_195] : memref<2x128x128xf32, #tpu.memory_space<vmem>>, vector<1x128x128xf32>
    %get3A_197 = vector.shape_cast %get3A_196 : vector<1x128x128xf32> to vector<128x128xf32>
    %dot_general3A_198 = arith.constant dense<0.000000e+00> : vector<2000x128xf32>
    %dot_general3A_199 = tpu.matmul %mul3A_192, %get3A_197, %dot_general3A_198 {dimension_numbers = #tpu.dot_dimension_numbers<[1], [1], [0], [0], [0, 0, 1, 0], [], []>, transpose_lhs_hint = false} : vector<2000x128xf32>, vector<128x128xf32>, vector<2000x128xf32> -> vector<2000x128xf32>
    %add3A_200 = arith.addf %add3A_164, %dot_general3A_199 : vector<2000x128xf32>
    %get3A_201 = arith.constant 0 : index
    %get3A_202 = arith.constant 0 : index
    %get3A_203 = arith.constant 0 : index
    %get3A_204 = vector.load %arg14[%get3A_201, %get3A_202, %get3A_203] : memref<2x1x128xf32, #tpu.memory_space<vmem>>, vector<1x1x128xf32>
    %get3A_205 = vector.shape_cast %get3A_204 : vector<1x1x128xf32> to vector<1x128xf32>
    %add3A_206 = vector.broadcast %get3A_205 : vector<1x128xf32> to vector<2000x128xf32>
    %add3A_207 = arith.addf %add3A_200, %add3A_206 : vector<2000x128xf32>
    %logistic3A_208 = arith.negf %add3A_207 : vector<2000x128xf32>
    %logistic3A_209 = math.exp %logistic3A_208 : vector<2000x128xf32>
    %logistic3A_210 = arith.constant 1.000000e+00 : f32
    %logistic3A_211 = vector.broadcast %logistic3A_210 : f32 to vector<2000x128xf32>
    %logistic3A_212 = arith.addf %logistic3A_211, %logistic3A_209 : vector<2000x128xf32>
    %logistic3A_213 = arith.divf %logistic3A_211, %logistic3A_212 : vector<2000x128xf32>
    %mul3A_214 = arith.mulf %add3A_207, %logistic3A_213 : vector<2000x128xf32>
    %get3A_215 = arith.constant 1 : index
    %get3A_216 = arith.constant 0 : index
    %get3A_217 = arith.constant 0 : index
    %get3A_218 = vector.load %arg11[%get3A_215, %get3A_216, %get3A_217] : memref<2x128x128xf32, #tpu.memory_space<vmem>>, vector<1x128x128xf32>
    %get3A_219 = vector.shape_cast %get3A_218 : vector<1x128x128xf32> to vector<128x128xf32>
    %dot_general3A_220 = arith.constant dense<0.000000e+00> : vector<2000x128xf32>
    %dot_general3A_221 = tpu.matmul %mul3A_214, %get3A_219, %dot_general3A_220 {dimension_numbers = #tpu.dot_dimension_numbers<[1], [1], [0], [0], [0, 0, 1, 0], [], []>, transpose_lhs_hint = false} : vector<2000x128xf32>, vector<128x128xf32>, vector<2000x128xf32> -> vector<2000x128xf32>
    %get3A_222 = arith.constant 1 : index
    %get3A_223 = arith.constant 0 : index
    %get3A_224 = arith.constant 0 : index
    %get3A_225 = vector.load %arg12[%get3A_222, %get3A_223, %get3A_224] : memref<2x1x128xf32, #tpu.memory_space<vmem>>, vector<1x1x128xf32>
    %get3A_226 = vector.shape_cast %get3A_225 : vector<1x1x128xf32> to vector<1x128xf32>
    %add3A_227 = vector.broadcast %get3A_226 : vector<1x128xf32> to vector<2000x128xf32>
    %add3A_228 = arith.addf %dot_general3A_221, %add3A_227 : vector<2000x128xf32>
    %logistic3A_229 = arith.negf %add3A_228 : vector<2000x128xf32>
    %logistic3A_230 = math.exp %logistic3A_229 : vector<2000x128xf32>
    %logistic3A_231 = arith.constant 1.000000e+00 : f32
    %logistic3A_232 = vector.broadcast %logistic3A_231 : f32 to vector<2000x128xf32>
    %logistic3A_233 = arith.addf %logistic3A_232, %logistic3A_230 : vector<2000x128xf32>
    %logistic3A_234 = arith.divf %logistic3A_232, %logistic3A_233 : vector<2000x128xf32>
    %mul3A_235 = arith.mulf %add3A_228, %logistic3A_234 : vector<2000x128xf32>
    %get3A_236 = arith.constant 1 : index
    %get3A_237 = arith.constant 0 : index
    %get3A_238 = arith.constant 0 : index
    %get3A_239 = vector.load %arg13[%get3A_236, %get3A_237, %get3A_238] : memref<2x128x128xf32, #tpu.memory_space<vmem>>, vector<1x128x128xf32>
    %get3A_240 = vector.shape_cast %get3A_239 : vector<1x128x128xf32> to vector<128x128xf32>
    %dot_general3A_241 = arith.constant dense<0.000000e+00> : vector<2000x128xf32>
    %dot_general3A_242 = tpu.matmul %mul3A_235, %get3A_240, %dot_general3A_241 {dimension_numbers = #tpu.dot_dimension_numbers<[1], [1], [0], [0], [0, 0, 1, 0], [], []>, transpose_lhs_hint = false} : vector<2000x128xf32>, vector<128x128xf32>, vector<2000x128xf32> -> vector<2000x128xf32>
    %add3A_243 = arith.addf %add3A_207, %dot_general3A_242 : vector<2000x128xf32>
    %get3A_244 = arith.constant 1 : index
    %get3A_245 = arith.constant 0 : index
    %get3A_246 = arith.constant 0 : index
    %get3A_247 = vector.load %arg14[%get3A_244, %get3A_245, %get3A_246] : memref<2x1x128xf32, #tpu.memory_space<vmem>>, vector<1x1x128xf32>
    %get3A_248 = vector.shape_cast %get3A_247 : vector<1x1x128xf32> to vector<1x128xf32>
    %add3A_249 = vector.broadcast %get3A_248 : vector<1x128xf32> to vector<2000x128xf32>
    %add3A_250 = arith.addf %add3A_243, %add3A_249 : vector<2000x128xf32>
    %swap3A = arith.constant 0 : index
    %swap3A_251 = arith.constant 0 : index
    %swap3A_252 = vector.load %arg15[%swap3A, %swap3A_251] : memref<2000x128xf32, #tpu.memory_space<vmem>>, vector<2000x128xf32>
    tpu.vector_store %arg15[%swap3A, %swap3A_251], %add3A_250 {strides = array<i32>} : memref<2000x128xf32, #tpu.memory_space<vmem>>, vector<2000x128xf32>,
    return
  }
  func.func @transform_0(%arg0: i32) -> (i32, i32) {
    %c0_i32 = arith.constant 0 : i32
    %c0_i32_0 = arith.constant 0 : i32
    return %arg0, %c0_i32 : i32, i32
  }
  func.func @transform_1(%arg0: i32) -> (i32, i32, i32) {
    %c0_i32 = arith.constant 0 : i32
    %c0_i32_0 = arith.constant 0 : i32
    %c0_i32_1 = arith.constant 0 : i32
    return %c0_i32, %arg0, %c0_i32_0 : i32, i32, i32
  }
  func.func @transform_2(%arg0: i32) -> (i32, i32) {
    %c0_i32 = arith.constant 0 : i32
    %c0_i32_0 = arith.constant 0 : i32
    return %arg0, %c0_i32 : i32, i32
  }
  func.func @transform_3(%arg0: i32) -> (i32, i32, i32) {
    %c0_i32 = arith.constant 0 : i32
    %c0_i32_0 = arith.constant 0 : i32
    %c0_i32_1 = arith.constant 0 : i32
    %c0_i32_2 = arith.constant 0 : i32
    return %c0_i32, %c0_i32_0, %c0_i32_1 : i32, i32, i32
  }
  func.func @transform_4(%arg0: i32) -> (i32, i32, i32) {
    %c0_i32 = arith.constant 0 : i32
    %c0_i32_0 = arith.constant 0 : i32
    %c0_i32_1 = arith.constant 0 : i32
    %c0_i32_2 = arith.constant 0 : i32
    return %c0_i32, %c0_i32_0, %c0_i32_1 : i32, i32, i32
  }
  func.func @transform_5(%arg0: i32) -> (i32, i32, i32) {
    %c0_i32 = arith.constant 0 : i32
    %c0_i32_0 = arith.constant 0 : i32
    %c0_i32_1 = arith.constant 0 : i32
    %c0_i32_2 = arith.constant 0 : i32
    return %c0_i32, %c0_i32_0, %c0_i32_1 : i32, i32, i32
  }
  func.func @transform_6(%arg0: i32) -> (i32, i32, i32) {
    %c0_i32 = arith.constant 0 : i32
    %c0_i32_0 = arith.constant 0 : i32
    %c0_i32_1 = arith.constant 0 : i32
    %c0_i32_2 = arith.constant 0 : i32
    return %c0_i32, %c0_i32_0, %c0_i32_1 : i32, i32, i32
  }
  func.func @transform_7(%arg0: i32) -> (i32, i32) {
    %c0_i32 = arith.constant 0 : i32
    %c0_i32_0 = arith.constant 0 : i32
    %c0_i32_1 = arith.constant 0 : i32
    return %c0_i32, %c0_i32_0 : i32, i32
  }
  func.func @transform_8(%arg0: i32) -> (i32, i32) {
    %c0_i32 = arith.constant 0 : i32
    %c0_i32_0 = arith.constant 0 : i32
    %c0_i32_1 = arith.constant 0 : i32
    return %c0_i32, %c0_i32_0 : i32, i32
  }
  func.func @transform_9(%arg0: i32) -> (i32, i32) {
    %c0_i32 = arith.constant 0 : i32
    %c0_i32_0 = arith.constant 0 : i32
    %c0_i32_1 = arith.constant 0 : i32
    return %c0_i32, %c0_i32_0 : i32, i32
  }
  func.func @transform_10(%arg0: i32) -> (i32, i32, i32) {
    %c0_i32 = arith.constant 0 : i32
    %c0_i32_0 = arith.constant 0 : i32
    %c0_i32_1 = arith.constant 0 : i32
    %c0_i32_2 = arith.constant 0 : i32
    return %c0_i32, %c0_i32_0, %c0_i32_1 : i32, i32, i32
  }
  func.func @transform_11(%arg0: i32) -> (i32, i32, i32) {
    %c0_i32 = arith.constant 0 : i32
    %c0_i32_0 = arith.constant 0 : i32
    %c0_i32_1 = arith.constant 0 : i32
    %c0_i32_2 = arith.constant 0 : i32
    return %c0_i32, %c0_i32_0, %c0_i32_1 : i32, i32, i32
  }
  func.func @transform_12(%arg0: i32) -> (i32, i32, i32) {
    %c0_i32 = arith.constant 0 : i32
    %c0_i32_0 = arith.constant 0 : i32
    %c0_i32_1 = arith.constant 0 : i32
    %c0_i32_2 = arith.constant 0 : i32
    return %c0_i32, %c0_i32_0, %c0_i32_1 : i32, i32, i32
  }
  func.func @transform_13(%arg0: i32) -> (i32, i32, i32) {
    %c0_i32 = arith.constant 0 : i32
    %c0_i32_0 = arith.constant 0 : i32
    %c0_i32_1 = arith.constant 0 : i32
    %c0_i32_2 = arith.constant 0 : i32
    return %c0_i32, %c0_i32_0, %c0_i32_1 : i32, i32, i32
  }
  func.func @transform_14(%arg0: i32) -> (i32, i32) {
    %c0_i32 = arith.constant 0 : i32
    %c0_i32_0 = arith.constant 0 : i32
    return %arg0, %c0_i32 : i32, i32
  }
}

module attributes {stable_mosaic.version = 14 : i64} {
  func.func @_a1_body(%arg0: i32, %arg1: memref<2000x128xf32, #tpu.memory_space<vmem>>, %arg2: memref<128x128xf32, #tpu.memory_space<vmem>>, %arg3: memref<1x128xf32, #tpu.memory_space<vmem>>, %arg4: memref<128x128xf32, #tpu.memory_space<vmem>>, %arg5: memref<1x128xf32, #tpu.memory_space<vmem>>, %arg6: memref<2000x128xf32, #tpu.memory_space<vmem>>, %arg7: memref<2000x128xf32, #tpu.memory_space<vmem>>) attributes {dimension_semantics = [#tpu.dimension_semantics<arbitrary>], iteration_bounds = array<i64: 5>, scalar_prefetch = 0 : i64, scratch_operands = 0 : i64, tpu.core_type = #tpu.core_type<tc>, window_params = [{transform_indices = @transform_0, window_bounds = array<i64: 2000, 128>}, {pipeline_mode = #tpu.pipeline_mode<synchronous>, transform_indices = @transform_1, window_bounds = array<i64: 128, 128>}, {pipeline_mode = #tpu.pipeline_mode<synchronous>, transform_indices = @transform_2, window_bounds = array<i64: 1, 128>}, {pipeline_mode = #tpu.pipeline_mode<synchronous>, transform_indices = @transform_3, window_bounds = array<i64: 128, 128>}, {pipeline_mode = #tpu.pipeline_mode<synchronous>, transform_indices = @transform_4, window_bounds = array<i64: 1, 128>}, {transform_indices = @transform_5, window_bounds = array<i64: 2000, 128>}, {transform_indices = @transform_6, window_bounds = array<i64: 2000, 128>}]} {
    %get3A = arith.constant 0 : index
    %get3A_0 = arith.constant 0 : index
    %get3A_1 = vector.load %arg1[%get3A, %get3A_0] : memref<2000x128xf32, #tpu.memory_space<vmem>>, vector<2000x128xf32>
    %logistic3A = arith.negf %get3A_1 : vector<2000x128xf32>
    %logistic3A_2 = math.exp %logistic3A : vector<2000x128xf32>
    %logistic3A_3 = arith.constant 1.000000e+00 : f32
    %logistic3A_4 = vector.broadcast %logistic3A_3 : f32 to vector<2000x128xf32>
    %logistic3A_5 = arith.addf %logistic3A_4, %logistic3A_2 : vector<2000x128xf32>
    %logistic3A_6 = arith.divf %logistic3A_4, %logistic3A_5 : vector<2000x128xf32>
    %mul3A = arith.mulf %get3A_1, %logistic3A_6 : vector<2000x128xf32>
    %get3A_7 = arith.constant 0 : index
    %get3A_8 = arith.constant 0 : index
    %get3A_9 = vector.load %arg2[%get3A_7, %get3A_8] : memref<128x128xf32, #tpu.memory_space<vmem>>, vector<128x128xf32>
    %dot_general3A = arith.constant dense<0.000000e+00> : vector<2000x128xf32>
    %dot_general3A_10 = tpu.matmul %mul3A, %get3A_9, %dot_general3A {dimension_numbers = #tpu.dot_dimension_numbers<[1], [1], [0], [0], [0, 0, 1, 0], [], []>, transpose_lhs_hint = false} : vector<2000x128xf32>, vector<128x128xf32>, vector<2000x128xf32> -> vector<2000x128xf32>
    %get3A_11 = arith.constant 0 : index
    %get3A_12 = arith.constant 0 : index
    %get3A_13 = vector.load %arg3[%get3A_11, %get3A_12] : memref<1x128xf32, #tpu.memory_space<vmem>>, vector<1x128xf32>
    %add3A = vector.broadcast %get3A_13 : vector<1x128xf32> to vector<2000x128xf32>
    %add3A_14 = arith.addf %dot_general3A_10, %add3A : vector<2000x128xf32>
    %logistic3A_15 = arith.negf %add3A_14 : vector<2000x128xf32>
    %logistic3A_16 = math.exp %logistic3A_15 : vector<2000x128xf32>
    %logistic3A_17 = arith.constant 1.000000e+00 : f32
    %logistic3A_18 = vector.broadcast %logistic3A_17 : f32 to vector<2000x128xf32>
    %logistic3A_19 = arith.addf %logistic3A_18, %logistic3A_16 : vector<2000x128xf32>
    %logistic3A_20 = arith.divf %logistic3A_18, %logistic3A_19 : vector<2000x128xf32>
    %mul3A_21 = arith.mulf %add3A_14, %logistic3A_20 : vector<2000x128xf32>
    %swap3A = arith.constant 0 : index
    %swap3A_22 = arith.constant 0 : index
    %swap3A_23 = vector.load %arg6[%swap3A, %swap3A_22] : memref<2000x128xf32, #tpu.memory_space<vmem>>, vector<2000x128xf32>
    tpu.vector_store %arg6[%swap3A, %swap3A_22], %mul3A_21 {strides = array<i32>} : memref<2000x128xf32, #tpu.memory_space<vmem>>, vector<2000x128xf32>,
    %get3A_24 = arith.constant 0 : index
    %get3A_25 = arith.constant 0 : index
    %get3A_26 = vector.load %arg4[%get3A_24, %get3A_25] : memref<128x128xf32, #tpu.memory_space<vmem>>, vector<128x128xf32>
    %dot_general3A_27 = arith.constant dense<0.000000e+00> : vector<2000x128xf32>
    %dot_general3A_28 = tpu.matmul %mul3A, %get3A_26, %dot_general3A_27 {dimension_numbers = #tpu.dot_dimension_numbers<[1], [1], [0], [0], [0, 0, 1, 0], [], []>, transpose_lhs_hint = false} : vector<2000x128xf32>, vector<128x128xf32>, vector<2000x128xf32> -> vector<2000x128xf32>
    %get3A_29 = arith.constant 0 : index
    %get3A_30 = arith.constant 0 : index
    %get3A_31 = vector.load %arg5[%get3A_29, %get3A_30] : memref<1x128xf32, #tpu.memory_space<vmem>>, vector<1x128xf32>
    %add3A_32 = vector.broadcast %get3A_31 : vector<1x128xf32> to vector<2000x128xf32>
    %add3A_33 = arith.addf %dot_general3A_28, %add3A_32 : vector<2000x128xf32>
    %logistic3A_34 = arith.negf %add3A_33 : vector<2000x128xf32>
    %logistic3A_35 = math.exp %logistic3A_34 : vector<2000x128xf32>
    %logistic3A_36 = arith.constant 1.000000e+00 : f32
    %logistic3A_37 = vector.broadcast %logistic3A_36 : f32 to vector<2000x128xf32>
    %logistic3A_38 = arith.addf %logistic3A_37, %logistic3A_35 : vector<2000x128xf32>
    %logistic3A_39 = arith.divf %logistic3A_37, %logistic3A_38 : vector<2000x128xf32>
    %mul3A_40 = arith.mulf %add3A_33, %logistic3A_39 : vector<2000x128xf32>
    %swap3A_41 = arith.constant 0 : index
    %swap3A_42 = arith.constant 0 : index
    %swap3A_43 = vector.load %arg7[%swap3A_41, %swap3A_42] : memref<2000x128xf32, #tpu.memory_space<vmem>>, vector<2000x128xf32>
    tpu.vector_store %arg7[%swap3A_41, %swap3A_42], %mul3A_40 {strides = array<i32>} : memref<2000x128xf32, #tpu.memory_space<vmem>>, vector<2000x128xf32>,
    return
  }
  func.func @transform_0(%arg0: i32) -> (i32, i32) {
    %c0_i32 = arith.constant 0 : i32
    %c0_i32_0 = arith.constant 0 : i32
    return %arg0, %c0_i32 : i32, i32
  }
  func.func @transform_1(%arg0: i32) -> (i32, i32) {
    %c0_i32 = arith.constant 0 : i32
    %c0_i32_0 = arith.constant 0 : i32
    %c0_i32_1 = arith.constant 0 : i32
    return %c0_i32, %c0_i32_0 : i32, i32
  }
  func.func @transform_2(%arg0: i32) -> (i32, i32) {
    %c0_i32 = arith.constant 0 : i32
    %c0_i32_0 = arith.constant 0 : i32
    %c0_i32_1 = arith.constant 0 : i32
    return %c0_i32, %c0_i32_0 : i32, i32
  }
  func.func @transform_3(%arg0: i32) -> (i32, i32) {
    %c0_i32 = arith.constant 0 : i32
    %c0_i32_0 = arith.constant 0 : i32
    %c0_i32_1 = arith.constant 0 : i32
    return %c0_i32, %c0_i32_0 : i32, i32
  }
  func.func @transform_4(%arg0: i32) -> (i32, i32) {
    %c0_i32 = arith.constant 0 : i32
    %c0_i32_0 = arith.constant 0 : i32
    %c0_i32_1 = arith.constant 0 : i32
    return %c0_i32, %c0_i32_0 : i32, i32
  }
  func.func @transform_5(%arg0: i32) -> (i32, i32) {
    %c0_i32 = arith.constant 0 : i32
    %c0_i32_0 = arith.constant 0 : i32
    return %arg0, %c0_i32 : i32, i32
  }
  func.func @transform_6(%arg0: i32) -> (i32, i32) {
    %c0_i32 = arith.constant 0 : i32
    %c0_i32_0 = arith.constant 0 : i32
    return %arg0, %c0_i32 : i32, i32
  }
}

</mosaic_0001>

<sc_bundles>
// kernel: kernel.6.cloned.1.call-start
scs
__scs_entry_jumppad:
0x0: {  	(pc) =	sbr.rel $0x88, $3  }
0x1: {  	(tag) =	ssettag $0x0;
	lr =	simm.s32 $0x1  }
0x2: {  	[smem:$0x3F8D] =	sst lr;
	_ =	strace $0xD0000000  }
0x3: {  	_ = 	snop  }
0x4: {  	_ = 	snop  }
0x5: {  	_ = 	snop  }
0x6: {  	_ = 	snop  }
0x7: {  	_ = 	snop  }
__scs_overlays_trampoline_lowered:
0x8: {  	[smem:$0x3F9C] =	sst s0  }
0x9: {  	[smem:$0x3F9D] =	sst s1  }
0xa: {  	[smem:$0x3F9E] =	sst s2  }
0xb: {  	[smem:$0x3F9F] =	sst s3  }
0xc: {  	[smem:$0x3FA0] =	sst s4  }
0xd: {  	[smem:$0x3FA1] =	sst s5  }
0xe: {  	[smem:$0x3FA2] =	sst s6  }
0xf: {  	[smem:$0x3FA3] =	sst s7  }
0x10: {  	[smem:$0x3FA4] =	sst s8  }
0x11: {  	[smem:$0x3FA5] =	sst s9;
	s0 =	simm.s32 @!p0 $0x0  }
0x12: {  	s1 =	sld [smem:$0x3F8B];
	s0 =	simm.s32 @p0 $0x1  }
0x13: {  	[smem:$0x3FA6] =	sst s0;
	s0 =	simm.s32 @!p1 $0x0  }
0x14: {  	s2 =	sld [smem:$0x3F8A];
	s0 =	simm.s32 @p1 $0x1  }
0x15: {  	[smem:$0x3FA7] =	sst s0;
	s0 =	simm.s32 @!p2 $0x0  }
0x16: {  	s3 =	sld [smem:$0x3FDB];
	s0 =	simm.s32 @p2 $0x1  }
0x17: {  	s4 =	simm.s32 $0x1BF5;
	[smem:$0x3FA9] =	sst s0  }
0x18: {  	s0 =	sld [smem:$0x3F8C];
	_ =	swait.ge [sflag:s4], $0x0  }
0x19: {  	s7 =	sld [smem:$0x3F8D]  }
0x1a: {  	s8 =	sadd.s32 $0xFFFFE003, lr  }
0x1b: {  	s9 =	sadd.s32 $0xFFFFFEF7, lr;
	s5 =	simm.s32 $0xFFFFFFFF;
	p2 =	slt.u32 s8, $0xFFFFF086  }
0x1c: {  	p1 =	slt.u32 s9, $0xF7A;
	s5 =	simm.s32 @!p2 $0x0  }
0x1d: {  	s5 =	simm.s32 @p1 $0x1;
	p0 =	seq.s32 s7, s2  }
0x1e: {  	s7 =	smul.u32 @!p0 $0xF7A, s2;
	p2 =	seq.s32 @!p0 s5, $0x0  }
0x1f: {  	s9 =	smul.u32 $0xF7A, s1;
	s8 =	simm.s32 @!p0 $0x1BF5;
	p2 =	por !p2, p0  }
0x20: {  	[sflag:s8] =	ssyncset.s32 @!p0 $0xFFFFF086;
	s6 =	sadd.s32 @!p0 s3, s7;
	s7 =	simm.s32 @!p0 $0x108  }
0x21: {  	s3 =	sadd.s32 s3, s9;
	s6 =	sadd.s32 @!p0 $0x88, s6;
	s7 =	simm.s32 @p2 $0x1082  }
0x22: {  	[simem:s7], [sflag:s8] =	dma.local @!p0 [hbm:s6], $0xF7A  }
0x23: {  	s9 =	sor.u32 $0xD0000000, s2;
	s6 =	simm.s32 $0x108;
	_ =	swait.ge @!p0 [sflag:s8], $0x0  }
0x24: {  	s3 =	sadd.s32 $0x88, s3;
	s6 =	simm.s32 @!p1 $0x1082;
	[sflag:s4] =	ssyncset.s32 $0xFFFFF086  }
0x25: {  	[simem:s6], [sflag:s4] =	dma.local [hbm:s3], $0xF7A  }
0x26: {  	[smem:$0x3F8D] =	sst s1;
	(tag) =	ssettag s2;
	_ =	strace s9  }
0x27: {  	s1 =	sld [smem:$0x3F9D]  }
0x28: {  	s2 =	sld [smem:$0x3F9E]  }
0x29: {  	s4 =	sld [smem:$0x3FA0]  }
0x2a: {  	p0 =	seq.s32 s5, $0x0;
	s5 =	sld [smem:$0x3FA1]  }
0x2b: {  	s6 =	sld [smem:$0x3FA2]  }
0x2c: {  	s7 =	sld [smem:$0x3FA3]  }
0x2d: {  	s3 =	simm.s32 $0x108;
	s8 =	sld [smem:$0x3FA4]  }
0x2e: {  	s3 =	simm.s32 @!p0 $0x1082;
	s9 =	sld [smem:$0x3FA5]  }
0x2f: {  	lr =	sadd.s32 s0, s3;
	s0 =	sld [smem:$0x3F9C]  }
0x30: {  	s3 =	sld [smem:$0x3F9F]  }
0x31: {  	[smem:$0x3FA8] =	sst s10  }
0x32: {  	s10 =	sld [smem:$0x3FA6];
	_ =	sdelay $0x3  }
0x33: {  	p0 =	seq.s32 s10, $0x1;
	s10 =	sld [smem:$0x3FA8];
	_ =	sdelay $0x3  }
0x34: {  	[smem:$0x3FA8] =	sst s10  }
0x35: {  	s10 =	sld [smem:$0x3FA7];
	_ =	sdelay $0x3  }
0x36: {  	p1 =	seq.s32 s10, $0x1;
	s10 =	sld [smem:$0x3FA8];
	_ =	sdelay $0x3  }
0x37: {  	[smem:$0x3FA8] =	sst s10  }
0x38: {  	s10 =	sld [smem:$0x3FA9]  }
0x39: {  	_ = 	snop;
	(pc) =	sbr.ind lr, $3  }
0x3a: {  	_ = 	snop  }
0x3b: {  	_ = 	snop  }
0x3c: {  	p2 =	seq.s32 s10, $0x1;
	s10 =	sld [smem:$0x3FA8]  }
0x3d: {  	_ =	shalt  }
0x3e: {  	_ =	shalt  }
0x3f: {  	_ =	shalt  }
0x40: {  	_ =	shalt  }
0x41: {  	_ =	shalt  }
0x42: {  	_ =	shalt  }
0x43: {  	_ =	shalt  }
0x44: {  	_ =	shalt  }
0x45: {  	_ =	shalt  }
0x46: {  	_ =	shalt  }
0x47: {  	_ =	shalt  }
0x48: {  	_ =	shalt  }
0x49: {  	_ =	shalt  }
0x4a: {  	_ =	shalt  }
0x4b: {  	_ =	shalt  }
0x4c: {  	_ =	shalt  }
0x4d: {  	_ =	shalt  }
0x4e: {  	_ =	shalt  }
0x4f: {  	_ =	shalt  }
0x50: {  	_ =	shalt  }
0x51: {  	_ =	shalt  }
0x52: {  	_ =	shalt  }
0x53: {  	_ =	shalt  }
0x54: {  	_ =	shalt  }
0x55: {  	_ =	shalt  }
0x56: {  	_ =	shalt  }
0x57: {  	_ =	shalt  }
0x58: {  	_ =	shalt  }
0x59: {  	_ =	shalt  }
0x5a: {  	_ =	shalt  }
0x5b: {  	_ =	shalt  }
0x5c: {  	_ =	shalt  }
0x5d: {  	_ =	shalt  }
0x5e: {  	_ =	shalt  }
0x5f: {  	_ =	shalt  }
0x60: {  	_ =	shalt  }
0x61: {  	_ =	shalt  }
0x62: {  	_ =	shalt  }
0x63: {  	_ =	shalt  }
0x64: {  	_ =	shalt  }
0x65: {  	_ =	shalt  }
0x66: {  	_ =	shalt  }
0x67: {  	_ =	shalt  }
0x68: {  	_ =	shalt  }
0x69: {  	_ =	shalt  }
0x6a: {  	_ =	shalt  }
0x6b: {  	_ =	shalt  }
0x6c: {  	_ =	shalt  }
0x6d: {  	_ =	shalt  }
0x6e: {  	_ =	shalt  }
0x6f: {  	_ =	shalt  }
0x70: {  	_ =	shalt  }
0x71: {  	_ =	shalt  }
0x72: {  	_ =	shalt  }
0x73: {  	_ =	shalt  }
0x74: {  	_ =	shalt  }
0x75: {  	_ =	shalt  }
0x76: {  	_ =	shalt  }
0x77: {  	_ =	shalt  }
0x78: {  	_ =	shalt  }
0x79: {  	_ =	shalt  }
0x7a: {  	_ =	shalt  }
0x7b: {  	_ =	shalt  }
0x7c: {  	_ =	shalt  }
0x7d: {  	_ =	shalt  }
0x7e: {  	_ =	shalt  }
0x7f: {  	_ =	shalt  }
0x80: {  	_ =	shalt  }
0x81: {  	_ =	shalt  }
0x82: {  	_ =	shalt  }
0x83: {  	_ =	shalt  }
0x84: {  	_ =	shalt  }
0x85: {  	_ =	shalt  }
0x86: {  	_ =	shalt  }
0x87: {  	_ =	shalt  }
.Lfunc_end0:
.L_simem_size_0:
called_computation_lowered:
.L_overlay_start_0:
0x88: {  	s2 =	sld [smem:$0x3FD9]  }
0x89: {  	s3 =	sld [smem:$0x3FFE];
	_ =	sdelay $0x1  }
0x8a: {  	s1 =	srdreg.scid  }
0x8b: {  	s0 =	sand.u32 $0x1, s1  }
0x8c: {  	s17 =	sshll.u32 s0, $0xA;
	s2 =	sadd.s32 s3, s2  }
0x8d: {  	s2 =	sadd.s32 s2, s17  }
0x8e: {  	[smem:$0x3FB4] =	sst s2  }
0x8f: {  	_ = 	snop  }
0x90: {  	s2 =	sld [smem:$0x3FC7]  }
0x91: {  	s18 =	sld [smem:$0x3FC6];
	(tm) =	ssettm $0x1  }
0x92: {  	s4 =	sld [smem:$0x3FFB];
	_ =	sdelay $0x3  }
0x93: {  	_ =	strace s4  }
0x94: {  	s4 =	sld [smem:$0x3FFC];
	_ =	sdelay $0x3  }
0x95: {  	_ =	strace s4  }
0x96: {  	s4 =	sld [smem:$0x3FFD];
	_ =	sdelay $0x3  }
0x97: {  	_ =	strace s4  }
0x98: {  	_ =	strace $0x8FFFFFFF  }
0x99: {  	s19 =	sld [smem:$0x3FDB];
	_ =	sdelay $0x1  }
0x9a: {  	s5 =	simm.s32 $_scs_section_size  }
0x9b: {  	s6 =	simm.s32 $_size__tile_overlayer_lowered;
	s7 =	simm.s32 $_tile_overlayer_lowered  }
0x9c: {  	s22 =	simm.s32 $0x1BFF;
	s21 =	sshll.u32 s7, $0x1;
	s4 =	sadd.s32 s5, s19  }
0x9d: {  	s8 =	simm.s32 $0x0;
	s20 =	sshll.u32 s6, $0x1;
	s6 =	sadd.s32 s21, s4  }
0x9e: {  	[timem:s8], [sflag:s22] =	dma.local [hbm:s6], s20  }
0x9f: {  	_ =	swait.ge [sflag:s22], s20  }
0xa0: {  	s5 =	ssub.s32 $0x0, s20;
	[sflag:s22] =	ssyncset.done $0x0  }
0xa1: {  	[sflag:s22] =	ssyncadd.s32 s5;
	_ =	sdelay $0x1  }
0xa2: {  	s23 =	simm.s32 $0x1B8B  }
0xa3: {  	_ =	swait.ge [sflag:s23], $0x1  }
0xa4: {  	[sflag:s23] =	ssyncset.done $0x0  }
0xa5: {  	s25 =	simm.s32 $0x1B8E;
	s24 =	sld [smem:$0x3FFE];
	[sflag:s23] =	ssyncadd.s32 $0xFFFFFFFF  }
0xa6: {  	s26 =	simm.s32 $execute0_lowered;
	[smem:$0x3FD2] =	sst s25  }
0xa7: {  	s6 =	sshll.u32 s26, $0x1;
	_ =	strace $0x80000046;
	[dreg:$0x1] =	wrdreg $0xFFFFFFFF  }
0xa8: {  	s28 =	simm.s32 $_size_execute0_lowered;
	s4 =	sadd.s32 s4, s6;
	[dreg:$0x0] =	wrdreg $0x0  }
0xa9: {  	s6 =	sshll.u32 s28, $0x1;
	[dreg:$0x2] =	wrdreg s4  }
0xaa: {  	[dreg:$0x3] =	wrdreg s6  }
0xab: {  	[dreg:$0x4] =	wrdreg $0xC0  }
0xac: {  	_ =	task [dreg:s8], $0x5FFFF  }
0xad: {  	[dreg:$0x1] =	wrdreg $0xFFFFFFFF  }
0xae: {  	[dreg:$0x0] =	wrdreg $0x60  }
0xaf: {  	[dreg:$0x2] =	wrdreg s24  }
0xb0: {  	[dreg:$0x3] =	wrdreg s18  }
0xb1: {  	[dreg:$0x4] =	wrdreg s2  }
0xb2: {  	[dreg:$0x5] =	wrdreg $0xB7000  }
0xb3: {  	[dreg:$0x6] =	wrdreg $0x9  }
0xb4: {  	_ =	task.clear_ibuf [dreg:s8], $0x7FFFF;
	_ =	strace $0x90000046  }
0xb5: {  	s29 =	simm.s32 $0x9;
	_ =	strace $0x80000048  }
0xb6: {  	_ =	swait.ge [sflag:s29], $0x1  }
0xb7: {  	[sflag:s29] =	ssyncadd.s32 $0xFFFFFFFF  }
0xb8: {  	_ =	strace $0x90000048  }
0xb9: {  	_ =	sfence  }
0xba: {  	s30 =	sld [smem:$0x0];
	_ =	sdelay $0x2  }
0xbb: {  	s31 =	sshll.u32 s1, $0xD;
	s1 =	sshrl.u32 s1, $0x2  }
0xbc: {  	s3 =	sand.u32 $0x4000, s31;
	s1 =	sadd.s32 s1, s30  }
0xbd: {  	s0 =	sor.u32 s3, s0;
	s1 =	sshll.u32 s1, $0x11  }
0xbe: {  	s0 =	sor.u32 s1, s0  }
0xbf: {  	s0 =	sadd.s32 $0x8F2B, s0  }
0xc0: {  	[sflag:s0] =	ssyncadd.remote.s32 $0x1  }
0xc1: {  	_ =	sfence.sel $0xFFFF  }
0xc2: {  	[dreg:$0x0] =	wrdreg $0xFFFFFFFF;
	(pc) =	sbr.abs _section_cstart, $3  }
0xc3: {  	[dreg:$0x1] =	wrdreg $0xFFFFFFFF  }
0xc4: {  	_ =	task.clear_ibuf [dreg:s8], $0x2FFFF;
	_ =	strace $0x9FFFFFFF  }
0xc5: {  	(tm) =	ssettm $0x7FFFFFFF  }
tec
execute0_lowered:
.L_overlay_start_1:
0x0: {  	(tag) =	ssettag $0x1  }
0x1: {  	s0 =	rddreg [dreg:$0x0]  }
0x2: {  	s1 =	rddreg [dreg:$0x1]  }
0x3: {  	s2 =	rddreg [dreg:$0x2]  }
0x4: {  	s3 =	rddreg [dreg:$0x3];
	s15 =	simm.s32 $0x0;
	s4 =	srdreg.scid  }
0x5: {  	s14 =	stileid.u32;
	s28 =	simm.s32 $0x8;
	s30 =	simm.s32 $0x0  }
0x6: {  	[smem:$0x7FF] =	sst s15;
	s6 =	sadd.s32 $0x3000, s0;
	s4 =	sand.u32 $0x1, s4  }
0x7: {  	s5 =	smul.u32 $0x4E000, s14;
	s7 =	sadd.s32 $0x4E5000, s0;
	s0 =	sadd.s32 $0x50C200, s0  }
0x8: {  	s12 =	smul.u32 $0x13800, s14;
	p0 =	sne.s32 s14, $0x0;
	_ =	strace $0x80000047  }
0x9: {  	s8 =	ssub.s32 $0x2, s4;
	s10 =	sshll.u32 s4, $0x4;
	s4 =	smul.u32 $0x138800, s4  }
0xa: {  	s9 =	sshrl.u32 s8, $0x1;
	s5 =	sshrl.u32 s5, $0x2;
	s21 =	sor.u32 s14, s10  }
0xb: {  	s14 =	simm.s32 $0x48;
	s8 =	ssub.s32 s8, s9;
	s17 =	sadd.s32 s5, s3  }
0xc: {  	s24 =	smul.u32 $0x2710, s21;
	s22 =	sadd.s32 $0x2400, s17;
	[dreg:$0x6] =	wrdreg s17  }
0xd: {  	s5 =	smul.u32 $0x27100, s21;
	s23 =	sadd.s32 $0x4800, s17;
	[dreg:$0x7] =	wrdreg s22  }
0xe: {  	s16 =	sadd.s32 s12, s4;
	s25 =	sadd.s32 $0x6C00, s17;
	[dreg:$0x8] =	wrdreg s23  }
0xf: {  	s4 =	sshrl.u32 s4, $0x3;
	s26 =	sadd.s32 $0x9000, s17;
	[dreg:$0x9] =	wrdreg s25  }
0x10: {  	s12 =	simm.s32 $0x5;
	[dreg:$0xa] =	wrdreg s26;
	s29 =	sshrl.u32 s24, $0x3  }
0x11: {  	s13 =	sadd.s32 $0x48, s24;
	s5 =	sadd.s32 s6, s5;
	s18 =	sadd.s32 $0x90, s24  }
0x12: {  	s19 =	sadd.s32 $0xD8, s24;
	s9 =	sadd.s32 $0x26D0, s24;
	s24 =	smax.u32 s8, $0x1  }
0x13: {  	s25 =	sadd.s32 $0xB400, s17;
	s26 =	sadd.s32 $0xD800, s17;
	[dreg:$0xe] =	wrdreg s5  }
0x14: {  	s11 =	sadd.s32 s1, s29;
	s31 =	sshrl.u32 s13, $0x3;
	[dreg:$0x14] =	wrdreg s24  }
0x15: {  	s10 =	sadd.s32 s2, s29;
	s5 =	sshrl.u32 s16, $0x3;
	[dreg:$0x15] =	wrdreg s25  }
0x16: {  	s20 =	sshrl.u32 s9, $0x3;
	s23 =	sshll.u32 s9, $0x4;
	[dreg:$0x16] =	wrdreg s26  }
0x17: {  	s29 =	sadd.s32 $0xFC00, s17;
	s9 =	simm.s32 $0xB400;
	[dreg:$0xb] =	wrdreg s11  }
0x18: {  	s16 =	simm.s32 $0x6;
	s24 =	simm.s32 $0x7;
	[dreg:$0xc] =	wrdreg s10  }
0x19: {  	s25 =	simm.s32 $0x2;
	s11 =	sadd.s32 s1, s31;
	[dreg:$0x17] =	wrdreg s29  }
0x1a: {  	s26 =	simm.s32 $0x4;
	s5 =	sadd.s32 s0, s5;
	[dreg:$0xd] =	wrdreg s11  }
0x1b: {  	s0 =	sadd.s32 s0, s4;
	s21 =	sadd.s32 s1, s20;
	[dreg:$0xf] =	wrdreg s5  }
0x1c: {  	s22 =	sadd.s32 s2, s20;
	s4 =	sadd.s32 s6, s23;
	[dreg:$0x10] =	wrdreg s21  }
0x1d: {  	s31 =	sadd.s32 $0x12000, s17;
	s20 =	sadd.s32 $0x138000, s3;
	[dreg:$0x11] =	wrdreg s22  }
0x1e: {  	s10 =	simm.s32 $0xB500;
	s23 =	simm.s32 $0xB580;
	[dreg:$0x12] =	wrdreg s4  }
0x1f: {  	s0 =	sadd.s32 $0x27000, s0;
	[dreg:$0x18] =	wrdreg s31;
	s5 =	simm.s32 $0x9  }
0x20: {  	s11 =	simm.s32 $0xB480;
	s21 =	simm.s32 $0x1;
	[dreg:$0x19] =	wrdreg s20  }
0x21: {  	v0 =	vimm.f32 $0.0e+00;
	s22 =	simm.s32 $0x3;
	[dreg:$0x13] =	wrdreg s0;
	s0 =	simm.s32 $0x9000  }
.LBB2_1:
0x22: {  	s4 =	simm.s32 $0x0;
	s8 =	simm.s32 $0x200  }
.LBB2_2:
0x23: {  	p1 =	sne.s32 s8, $0x8E00;
	[tilespmem:s4+$0x9070] =	vst v0  }
0x24: {  	[tilespmem:s4+$0x9000] =	vst v0  }
0x25: {  	[tilespmem:s4+$0x9010] =	vst v0  }
.Ltmp0:
0x26: {  	[tilespmem:s4+$0x9020] =	vst v0;
	(pc) =	sbr.rel @p1 .LBB2_2-.Ltmp0, $4  }
0x27: {  	[tilespmem:s4+$0x9030] =	vst v0  }
0x28: {  	[tilespmem:s4+$0x9040] =	vst v0  }
0x29: {  	[tilespmem:s4+$0x9050] =	vst v0  }
0x2a: {  	[tilespmem:s4+$0x9060] =	vst v0;
	s4 =	sshra.s32 s8, $0x2;
	s8 =	sadd.s32 $0x200, s8  }
0x2b: {  	[tilespmem:s4+$0x9070] =	vst v0  }
0x2c: {  	[tilespmem:s4+$0x9000] =	vst v0  }
0x2d: {  	[tilespmem:s4+$0x9010] =	vst v0  }
0x2e: {  	[tilespmem:s4+$0x9020] =	vst v0  }
0x2f: {  	[tilespmem:s4+$0x9030] =	vst v0  }
0x30: {  	[tilespmem:s4+$0x9040] =	vst v0  }
0x31: {  	[tilespmem:s4+$0x9050] =	vst v0  }
0x32: {  	[dreg:$0x5] =	wrdreg s15;
	[tilespmem:s4+$0x9060] =	vst v0  }
0x33: {  	[spmem:s17] =	stream.linear.scatter [tilespmem:s0], [sflag:$0x9], $0x2400, $0x38;
	[tilespmem:$0x1EF80] =	vst v63  }
0x34: {  	_ =	swait.ge [sflag:s5], $0x2400  }
0x35: {  	[sflag:s5] =	ssyncset.done $0x0  }
0x36: {  	s8 =	rddreg [dreg:$0x7];
	[sflag:s5] =	ssyncadd.s32 $0xFFFFDC00  }
0x37: {  	[spmem:s8] =	stream.linear.scatter [tilespmem:s0], [sflag:$0x9], $0x2400, $0x38;
	[tilespmem:$0x1EF80] =	vst v63  }
0x38: {  	_ =	swait.ge [sflag:s5], $0x2400  }
0x39: {  	[sflag:s5] =	ssyncset.done $0x0  }
0x3a: {  	s15 =	rddreg [dreg:$0x8];
	[sflag:s5] =	ssyncadd.s32 $0xFFFFDC00  }
0x3b: {  	[spmem:s15] =	stream.linear.scatter [tilespmem:s0], [sflag:$0x9], $0x2400, $0x38;
	[tilespmem:$0x1EF80] =	vst v63  }
0x3c: {  	_ =	swait.ge [sflag:s5], $0x2400  }
0x3d: {  	[sflag:s5] =	ssyncset.done $0x0  }
0x3e: {  	s17 =	rddreg [dreg:$0x9];
	[sflag:s5] =	ssyncadd.s32 $0xFFFFDC00  }
0x3f: {  	[spmem:s17] =	stream.linear.scatter [tilespmem:s0], [sflag:$0x9], $0x2400, $0x38;
	[tilespmem:$0x1EF80] =	vst v63  }
0x40: {  	_ =	swait.ge [sflag:s5], $0x2400  }
0x41: {  	[sflag:s5] =	ssyncset.done $0x0  }
0x42: {  	s31 =	rddreg [dreg:$0xa];
	[sflag:s5] =	ssyncadd.s32 $0xFFFFDC00  }
0x43: {  	[spmem:s31] =	stream.linear.scatter [tilespmem:s0], [sflag:$0x9], $0x2400, $0x38;
	[tilespmem:$0x1EF80] =	vst v63  }
0x44: {  	_ =	swait.ge [sflag:s5], $0x2400  }
0x45: {  	[sflag:s5] =	ssyncset.done $0x0  }
0x46: {  	s8 =	rddreg [dreg:$0x15];
	[sflag:s5] =	ssyncadd.s32 $0xFFFFDC00  }
0x47: {  	[spmem:s8] =	stream.linear.scatter [tilespmem:s0], [sflag:$0x9], $0x2400, $0x38;
	[tilespmem:$0x1EF80] =	vst v63  }
0x48: {  	_ =	swait.ge [sflag:s5], $0x2400  }
0x49: {  	[sflag:s5] =	ssyncset.done $0x0  }
0x4a: {  	s15 =	rddreg [dreg:$0x16];
	[sflag:s5] =	ssyncadd.s32 $0xFFFFDC00  }
0x4b: {  	[spmem:s15] =	stream.linear.scatter [tilespmem:s0], [sflag:$0x9], $0x2400, $0x38;
	[tilespmem:$0x1EF80] =	vst v63  }
0x4c: {  	_ =	swait.ge [sflag:s5], $0x2400  }
0x4d: {  	[sflag:s5] =	ssyncset.done $0x0  }
0x4e: {  	s17 =	rddreg [dreg:$0x17];
	[sflag:s5] =	ssyncadd.s32 $0xFFFFDC00  }
0x4f: {  	[spmem:s17] =	stream.linear.scatter [tilespmem:s0], [sflag:$0x9], $0x2400, $0x38;
	[tilespmem:$0x1EF80] =	vst v63  }
0x50: {  	_ =	swait.ge [sflag:s5], $0x2400  }
0x51: {  	[sflag:s5] =	ssyncset.done $0x0  }
0x52: {  	s31 =	rddreg [dreg:$0x18];
	[sflag:s5] =	ssyncadd.s32 $0xFFFFDC00  }
0x53: {  	[spmem:s31] =	stream.linear.scatter [tilespmem:s0], [sflag:$0x9], $0x1800, $0x38;
	[tilespmem:$0x1EF80] =	vst v63  }
0x54: {  	_ =	swait.ge [sflag:s5], $0x1800  }
0x55: {  	[sflag:s5] =	ssyncset.done $0x0  }
0x56: {  	s4 =	simm.s32 @!p0 $0x9000;
	[sflag:s5] =	ssyncadd.s32 $0xFFFFE800  }
0x57: {  	[spmem:s20] =	stream.linear.scatter @!p0 [tilespmem:s4], [sflag:$0x9], $0x800, $0x38;
	[tilespmem:$0x1EF80] =	vst v63  }
0x58: {  	s4 =	simm.s32 @!p0 $0x9  }
0x59: {  	_ =	swait.ge @!p0 [sflag:s4], $0x800  }
0x5a: {  	[sflag:s4] =	ssyncset.done @!p0 $0x0  }
0x5b: {  	[sflag:s4] =	ssyncadd.s32 @!p0 $0xFFFFF800  }
0x5c: {  	[bflag:$0x0] =	sbarrier.arrive $0xFFFF  }
0x5d: {  	s8 =	rddreg [dreg:$0xb]  }
0x5e: {  	[tilespmem:s9], [sflag:$0x5] =	stream.linear.gather [hbm4b:s8+s30], $0x48, $0x38;
	[tilespmem:$0x1EF80] =	vst v63  }
0x5f: {  	s15 =	rddreg [dreg:$0xc]  }
0x60: {  	[tilespmem:s10], [sflag:$0x7] =	stream.linear.gather [hbm4b:s15+s30], $0x48, $0x38;
	[tilespmem:$0x1EF80] =	vst v63  }
0x61: {  	s17 =	rddreg [dreg:$0xd]  }
0x62: {  	[tilespmem:s11], [sflag:$0x6] =	stream.linear.gather [hbm4b:s17+s30], $0x48, $0x38;
	[tilespmem:$0x1EF80] =	vst v63  }
0x63: {  	_ =	swait.ge [sflag:s12], $0x48  }
0x64: {  	[sflag:s12] =	ssyncset.done $0x0  }
0x65: {  	s20 =	rddreg [dreg:$0xe];
	[sflag:s12] =	ssyncadd.s32 $0xFFFFFFB8  }
0x66: {  	[tilespmem:s30], [sflag:$0x1] =	stream.linear.gather [hbm4b:s20+s30], $0x2400, $0x38;
	[tilespmem:$0x1EF80] =	vst v63  }
0x67: {  	s29 =	simm.s32 $0x0;
	s31 =	simm.s32 $0x4800  }
0x68: {  	[tilespmem:s31], [sflag:$0x3] =	stream.indirect.gather [hbm4b:s7+s14], $0x80, s9, s14, $0xb8;
	[tilespmem:$0x1EF80] =	vst v63  }
.LBB2_4:
0x69: {  	s4 =	smul.u32 $0x90, s29;
	_ =	sdelay $0x1  }
0x6a: {  	_ =	swait.ge [sflag:s16], $0x48;
	s15 =	sadd.s32 s4, s13  }
0x6b: {  	[sflag:s16] =	ssyncset.done $0x0;
	s4 =	sshll.u32 s15, $0x4  }
0x6c: {  	s8 =	simm.s32 $0x2400;
	[sflag:s16] =	ssyncadd.s32 $0xFFFFFFB8;
	s4 =	sadd.s32 s6, s4  }
0x6d: {  	[tilespmem:s8], [sflag:$0x2] =	stream.linear.gather [hbm4b:s4+s30], $0x2400, $0x38;
	[tilespmem:$0x1EF80] =	vst v63  }
0x6e: {  	s17 =	simm.s32 $0x6C00;
	s8 =	sshll.u32 s29, $0x1  }
0x6f: {  	[tilespmem:s17], [sflag:$0x4] =	stream.indirect.gather [hbm4b:s7+s14], $0x80, s11, s14, $0xb8;
	[tilespmem:$0x1EF80] =	vst v63  }
0x70: {  	s20 =	smin.u32 s8, $0x87;
	_ =	swait.ge [sflag:s21], $0x2400  }
0x71: {  	s4 =	smul.u32 $0x48, s20;
	[sflag:s21] =	ssyncset.done $0x0  }
0x72: {  	[sflag:s21] =	ssyncadd.s32 $0xFFFFDC00  }
0x73: {  	s4 =	sadd.s32 s4, s18;
	_ =	swait.ge [sflag:s22], $0x2400  }
0x74: {  	s31 =	sshrl.u32 s4, $0x3;
	[sflag:s22] =	ssyncset.done $0x0  }
0x75: {  	s15 =	sshrl.u32 s15, $0x3;
	s17 =	sadd.s32 s1, s31;
	[sflag:s22] =	ssyncadd.s32 $0xFFFFDC00  }
0x76: {  	[tilespmem:s9], [sflag:$0x5] =	stream.linear.gather [hbm4b:s17+s30], $0x48, $0x38;
	[tilespmem:$0x1EF80] =	vst v63  }
0x77: {  	s15 =	sadd.s32 s2, s15;
	s17 =	simm.s32 $0x0  }
0x78: {  	[tilespmem:s23], [sflag:$0x8] =	stream.linear.gather [hbm4b:s15+s30], $0x48, $0x38;
	[tilespmem:$0x1EF80] =	vst v63  }
0x79: {  	v1 =	vld [tilespmem:s17+$0x30]  }
0x7a: {  	v2 =	vld [tilespmem:s17+$0x4870]  }
0x7b: {  	v3 =	vld [tilespmem:s17+$0x0]  }
0x7c: {  	v6 =	vld [tilespmem:s17+$0x10]  }
0x7d: {  	v9 =	vld [tilespmem:s17+$0x20]  }
0x7e: {  	v8 =	vld [tilespmem:s17+$0x4800]  }
0x7f: {  	v12 =	vld [tilespmem:s17+$0x4840];
	v4 =	vand.u32 $0xFFFF0000, v1  }
0x80: {  	v5 =	vmul.f32 v4, v2;
	v4 =	vld [tilespmem:s17+$0x4810]  }
0x81: {  	v2 =	vld [tilespmem:s17+$0x4850]  }
0x82: {  	v1 =	vshll.u32 v1, $0x10;
	v11 =	vshll.u32 v3, $0x10;
	v13 =	vand.u32 $0xFFFF0000, v3;
	[tilespmem:s17+$0x9070] =	vst v5;
	v5 =	vld [tilespmem:s17+$0x4820]  }
0x83: {  	v10 =	vshll.u32 v6, $0x10;
	v7 =	vand.u32 $0xFFFF0000, v6;
	v6 =	vld [tilespmem:s17+$0x4860];
	v11 =	vmul.f32 v11, v8  }
0x84: {  	s20 =	simm.s32 $0x80;
	s15 =	simm.s32 $0x400;
	v3 =	vand.u32 $0xFFFF0000, v9;
	v8 =	vshll.u32 v9, $0x10;
	v12 =	vmul.f32 v13, v12;
	v9 =	vld [tilespmem:s17+$0x4830]  }
.LBB2_5:
0x85: {  	p1 =	sne.s32 s15, $0x8E00;
	v13 =	vld [tilespmem:s20+$0x30];
	[tilespmem:s17+$0x9000] =	vst v11;
	v4 =	vmul.f32 v10, v4  }
0x86: {  	v10 =	vld [tilespmem:s20+$0x4870];
	[tilespmem:s17+$0x9040] =	vst v12;
	v2 =	vmul.f32 v7, v2  }
0x87: {  	v7 =	vld [tilespmem:s20+$0x0];
	[tilespmem:s17+$0x9010] =	vst v4;
	v4 =	vmul.f32 v8, v5  }
0x88: {  	v5 =	vld [tilespmem:s20+$0x10];
	[tilespmem:s17+$0x9050] =	vst v2;
	v2 =	vmul.f32 v3, v6  }
0x89: {  	v3 =	vld [tilespmem:s20+$0x20];
	[tilespmem:s17+$0x9020] =	vst v4;
	v4 =	vmul.f32 v1, v9  }
0x8a: {  	v6 =	vld [tilespmem:s20+$0x4800];
	v1 =	vshll.u32 v13, $0x10;
	v8 =	vand.u32 $0xFFFF0000, v13;
	[tilespmem:s17+$0x9060] =	vst v2  }
0x8b: {  	v9 =	vld [tilespmem:s20+$0x4840];
	v8 =	vmul.f32 v8, v10;
	[tilespmem:s17+$0x9030] =	vst v4;
	s17 =	smov.u32 s20  }
.Ltmp1:
0x8c: {  	v11 =	vshll.u32 v7, $0x10;
	v12 =	vand.u32 $0xFFFF0000, v7;
	v4 =	vld [tilespmem:s17+$0x4810];
	(pc) =	sbr.rel @p1 .LBB2_5-.Ltmp1, $4  }
0x8d: {  	v10 =	vshll.u32 v5, $0x10;
	v7 =	vand.u32 $0xFFFF0000, v5;
	v2 =	vld [tilespmem:s17+$0x4850];
	[tilespmem:s17+$0x9070] =	vst v8  }
0x8e: {  	v8 =	vshll.u32 v3, $0x10;
	v3 =	vand.u32 $0xFFFF0000, v3;
	v5 =	vld [tilespmem:s17+$0x4820]  }
0x8f: {  	v11 =	vmul.f32 v11, v6;
	v6 =	vld [tilespmem:s17+$0x4860]  }
0x90: {  	s20 =	sshra.s32 s15, $0x2;
	s15 =	sadd.s32 $0x200, s15;
	v12 =	vmul.f32 v12, v9;
	v9 =	vld [tilespmem:s17+$0x4830]  }
0x91: {  	v13 =	vld [tilespmem:s20+$0x30];
	[tilespmem:s17+$0x9000] =	vst v11;
	v4 =	vmul.f32 v10, v4  }
0x92: {  	v11 =	vld [tilespmem:s20+$0x4870];
	[tilespmem:s17+$0x9040] =	vst v12;
	v2 =	vmul.f32 v7, v2  }
0x93: {  	v10 =	vld [tilespmem:s20+$0x0];
	[tilespmem:s17+$0x9010] =	vst v4;
	v5 =	vmul.f32 v8, v5  }
0x94: {  	v4 =	vld [tilespmem:s20+$0x10];
	[tilespmem:s17+$0x9050] =	vst v2;
	v3 =	vmul.f32 v3, v6  }
0x95: {  	v2 =	vld [tilespmem:s20+$0x20];
	[tilespmem:s17+$0x9020] =	vst v5;
	v1 =	vmul.f32 v1, v9  }
0x96: {  	v5 =	vld [tilespmem:s20+$0x4800];
	[tilespmem:s17+$0x9060] =	vst v3  }
0x97: {  	v6 =	vand.u32 $0xFFFF0000, v13;
	v3 =	vld [tilespmem:s20+$0x4840];
	[tilespmem:s17+$0x9030] =	vst v1  }
0x98: {  	v1 =	vmul.f32 v6, v11;
	v6 =	vld [tilespmem:s20+$0x4810]  }
0x99: {  	v7 =	vld [tilespmem:s20+$0x4850]  }
0x9a: {  	v8 =	vld [tilespmem:s20+$0x4820];
	[tilespmem:s20+$0x9070] =	vst v1;
	v1 =	vshll.u32 v10, $0x10  }
0x9b: {  	v9 =	vand.u32 $0xFFFF0000, v10;
	v1 =	vmul.f32 v1, v5;
	v5 =	vld [tilespmem:s20+$0x4860]  }
0x9c: {  	v10 =	vshll.u32 v4, $0x10;
	v3 =	vmul.f32 v9, v3;
	v9 =	vld [tilespmem:s20+$0x4830]  }
0x9d: {  	v4 =	vand.u32 $0xFFFF0000, v4;
	[tilespmem:s20+$0x9000] =	vst v1;
	v1 =	vmul.f32 v10, v6  }
0x9e: {  	v6 =	vshll.u32 v2, $0x10;
	[tilespmem:s20+$0x9040] =	vst v3;
	v3 =	vmul.f32 v4, v7  }
0x9f: {  	v2 =	vand.u32 $0xFFFF0000, v2;
	[tilespmem:s20+$0x9010] =	vst v1;
	v1 =	vmul.f32 v6, v8  }
0xa0: {  	v4 =	vshll.u32 v13, $0x10;
	[tilespmem:s20+$0x9050] =	vst v3;
	v2 =	vmul.f32 v2, v5  }
0xa1: {  	[tilespmem:s20+$0x9020] =	vst v1;
	v1 =	vmul.f32 v4, v9  }
0xa2: {  	[tilespmem:s20+$0x9060] =	vst v2  }
0xa3: {  	[tilespmem:s20+$0x9030] =	vst v1  }
0xa4: {  	_ =	swait.ge [sflag:s24], $0x48  }
0xa5: {  	[sflag:s24] =	ssyncset.done $0x0  }
0xa6: {  	[sflag:s24] =	ssyncadd.s32 $0xFFFFFFB8  }
0xa7: {  	[spmem:s3] =	stream.indirect.scatter.add.f32 [tilespmem:s0], [sflag:$0x9], $0x80, s10, s14, $0xb8;
	[tilespmem:$0x1EF80] =	vst v63  }
0xa8: {  	_ =	swait.ge [sflag:s5], $0x2400  }
0xa9: {  	[sflag:s5] =	ssyncset.done $0x0  }
0xaa: {  	[sflag:s5] =	ssyncadd.s32 $0xFFFFDC00  }
0xab: {  	_ =	swait.ge [sflag:s12], $0x48  }
0xac: {  	s4 =	sshll.u32 s4, $0x4;
	[sflag:s12] =	ssyncset.done $0x0  }
0xad: {  	s15 =	simm.s32 $0x0;
	s4 =	sadd.s32 s6, s4;
	[sflag:s12] =	ssyncadd.s32 $0xFFFFFFB8  }
0xae: {  	[tilespmem:s15], [sflag:$0x1] =	stream.linear.gather [hbm4b:s4+s15], $0x2400, $0x38;
	[tilespmem:$0x1EF80] =	vst v63  }
0xaf: {  	s17 =	simm.s32 $0x4800  }
0xb0: {  	[tilespmem:s17], [sflag:$0x3] =	stream.indirect.gather [hbm4b:s7+s14], $0x80, s9, s14, $0xb8;
	[tilespmem:$0x1EF80] =	vst v63  }
0xb1: {  	s20 =	smin.u32 s8, $0x86;
	_ =	swait.ge [sflag:s25], $0x2400  }
0xb2: {  	s4 =	smul.u32 $0x48, s20;
	[sflag:s25] =	ssyncset.done $0x0  }
0xb3: {  	[sflag:s25] =	ssyncadd.s32 $0xFFFFDC00  }
0xb4: {  	s4 =	sadd.s32 s4, s19;
	_ =	swait.ge [sflag:s26], $0x2400  }
0xb5: {  	s4 =	sshrl.u32 s4, $0x3;
	[sflag:s26] =	ssyncset.done $0x0  }
0xb6: {  	s4 =	sadd.s32 s1, s4;
	[sflag:s26] =	ssyncadd.s32 $0xFFFFDC00  }
0xb7: {  	[tilespmem:s11], [sflag:$0x6] =	stream.linear.gather [hbm4b:s4+s15], $0x48, $0x38;
	[tilespmem:$0x1EF80] =	vst v63  }
0xb8: {  	s31 =	sadd.s32 s2, s31;
	s4 =	simm.s32 $0x0  }
0xb9: {  	[tilespmem:s10], [sflag:$0x7] =	stream.linear.gather [hbm4b:s31+s15], $0x48, $0x38;
	[tilespmem:$0x1EF80] =	vst v63  }
0xba: {  	v1 =	vld [tilespmem:s4+$0x2430]  }
0xbb: {  	v2 =	vld [tilespmem:s4+$0x6C70]  }
0xbc: {  	v3 =	vld [tilespmem:s4+$0x2400]  }
0xbd: {  	v6 =	vld [tilespmem:s4+$0x2410]  }
0xbe: {  	v9 =	vld [tilespmem:s4+$0x2420]  }
0xbf: {  	v11 =	vld [tilespmem:s4+$0x6C00]  }
0xc0: {  	v12 =	vld [tilespmem:s4+$0x6C40];
	v4 =	vand.u32 $0xFFFF0000, v1  }
0xc1: {  	v5 =	vmul.f32 v4, v2;
	v4 =	vld [tilespmem:s4+$0x6C10]  }
0xc2: {  	v2 =	vld [tilespmem:s4+$0x6C50]  }
0xc3: {  	v1 =	vshll.u32 v1, $0x10;
	v13 =	vshll.u32 v3, $0x10;
	v14 =	vand.u32 $0xFFFF0000, v3;
	[tilespmem:s4+$0x9070] =	vst v5;
	v5 =	vld [tilespmem:s4+$0x6C20]  }
0xc4: {  	v10 =	vshll.u32 v6, $0x10;
	v8 =	vand.u32 $0xFFFF0000, v6;
	v6 =	vld [tilespmem:s4+$0x6C60];
	v11 =	vmul.f32 v13, v11  }
0xc5: {  	s8 =	simm.s32 $0x80;
	s15 =	simm.s32 $0x400;
	v7 =	vshll.u32 v9, $0x10;
	v3 =	vand.u32 $0xFFFF0000, v9;
	v9 =	vld [tilespmem:s4+$0x6C30];
	v12 =	vmul.f32 v14, v12  }
.LBB2_7:
0xc6: {  	p1 =	sne.s32 s15, $0x8E00;
	v13 =	vld [tilespmem:s8+$0x2430];
	[tilespmem:s4+$0x9000] =	vst v11;
	v4 =	vmul.f32 v10, v4  }
0xc7: {  	v10 =	vld [tilespmem:s8+$0x6C70];
	[tilespmem:s4+$0x9040] =	vst v12;
	v2 =	vmul.f32 v8, v2  }
0xc8: {  	v8 =	vld [tilespmem:s8+$0x2400];
	[tilespmem:s4+$0x9010] =	vst v4;
	v4 =	vmul.f32 v7, v5  }
0xc9: {  	v5 =	vld [tilespmem:s8+$0x2410];
	[tilespmem:s4+$0x9050] =	vst v2;
	v2 =	vmul.f32 v3, v6  }
0xca: {  	v3 =	vld [tilespmem:s8+$0x2420];
	[tilespmem:s4+$0x9020] =	vst v4;
	v4 =	vmul.f32 v1, v9  }
0xcb: {  	v6 =	vld [tilespmem:s8+$0x6C00];
	v1 =	vshll.u32 v13, $0x10;
	v7 =	vand.u32 $0xFFFF0000, v13;
	[tilespmem:s4+$0x9060] =	vst v2  }
0xcc: {  	v9 =	vld [tilespmem:s8+$0x6C40];
	v7 =	vmul.f32 v7, v10;
	[tilespmem:s4+$0x9030] =	vst v4;
	s4 =	smov.u32 s8  }
.Ltmp2:
0xcd: {  	v11 =	vshll.u32 v8, $0x10;
	v12 =	vand.u32 $0xFFFF0000, v8;
	v4 =	vld [tilespmem:s4+$0x6C10];
	(pc) =	sbr.rel @p1 .LBB2_7-.Ltmp2, $4  }
0xce: {  	v10 =	vshll.u32 v5, $0x10;
	v8 =	vand.u32 $0xFFFF0000, v5;
	v2 =	vld [tilespmem:s4+$0x6C50];
	[tilespmem:s4+$0x9070] =	vst v7  }
0xcf: {  	v7 =	vshll.u32 v3, $0x10;
	v3 =	vand.u32 $0xFFFF0000, v3;
	v5 =	vld [tilespmem:s4+$0x6C20]  }
0xd0: {  	v11 =	vmul.f32 v11, v6;
	v6 =	vld [tilespmem:s4+$0x6C60]  }
0xd1: {  	s8 =	sshra.s32 s15, $0x2;
	s15 =	sadd.s32 $0x200, s15;
	v12 =	vmul.f32 v12, v9;
	v9 =	vld [tilespmem:s4+$0x6C30]  }
0xd2: {  	v13 =	vld [tilespmem:s8+$0x2430];
	[tilespmem:s4+$0x9000] =	vst v11;
	v4 =	vmul.f32 v10, v4  }
0xd3: {  	v11 =	vld [tilespmem:s8+$0x6C70];
	[tilespmem:s4+$0x9040] =	vst v12;
	v2 =	vmul.f32 v8, v2  }
0xd4: {  	v53 =	vld [tilespmem:s8+$0x2400];
	[tilespmem:s4+$0x9010] =	vst v4;
	v5 =	vmul.f32 v7, v5  }
0xd5: {  	v4 =	vld [tilespmem:s8+$0x2410];
	[tilespmem:s4+$0x9050] =	vst v2;
	v3 =	vmul.f32 v3, v6  }
0xd6: {  	v2 =	vld [tilespmem:s8+$0x2420];
	[tilespmem:s4+$0x9020] =	vst v5;
	v1 =	vmul.f32 v1, v9  }
0xd7: {  	v5 =	vld [tilespmem:s8+$0x6C00];
	[tilespmem:s4+$0x9060] =	vst v3  }
0xd8: {  	v54 =	vand.u32 $0xFFFF0000, v13;
	v3 =	vld [tilespmem:s8+$0x6C40];
	[tilespmem:s4+$0x9030] =	vst v1  }
0xd9: {  	v1 =	vmul.f32 v54, v11;
	v55 =	vld [tilespmem:s8+$0x6C10]  }
0xda: {  	v59 =	vld [tilespmem:s8+$0x6C60]  }
0xdb: {  	v57 =	vld [tilespmem:s8+$0x6C20];
	[tilespmem:s8+$0x9070] =	vst v1;
	v1 =	vshll.u32 v53, $0x10  }
0xdc: {  	v56 =	vld [tilespmem:s8+$0x6C50];
	v58 =	vand.u32 $0xFFFF0000, v53;
	v1 =	vmul.f32 v1, v5  }
0xdd: {  	v61 =	vld [tilespmem:s8+$0x6C30];
	v60 =	vshll.u32 v4, $0x10;
	v3 =	vmul.f32 v58, v3  }
0xde: {  	v62 =	vshll.u32 v2, $0x10;
	v2 =	vand.u32 $0xFFFF0000, v2;
	[tilespmem:s8+$0x9000] =	vst v1;
	v1 =	vmul.f32 v60, v55  }
0xdf: {  	v2 =	vmul.f32 v2, v59;
	[tilespmem:s8+$0x9040] =	vst v3  }
0xe0: {  	v4 =	vand.u32 $0xFFFF0000, v4;
	[tilespmem:s8+$0x9010] =	vst v1;
	v1 =	vmul.f32 v62, v57  }
0xe1: {  	v63 =	vshll.u32 v13, $0x10;
	v3 =	vmul.f32 v4, v56;
	[tilespmem:s8+$0x9060] =	vst v2  }
0xe2: {  	[tilespmem:s8+$0x9020] =	vst v1;
	v1 =	vmul.f32 v63, v61  }
0xe3: {  	[tilespmem:s8+$0x9050] =	vst v3  }
0xe4: {  	[tilespmem:s8+$0x9030] =	vst v1  }
0xe5: {  	s29 =	sadd.s32 $0x1, s29;
	_ =	swait.ge [sflag:s28], $0x48  }
0xe6: {  	p1 =	sne.s32 s29, $0x45;
	[sflag:s28] =	ssyncset.done $0x0  }
.Ltmp3:
0xe7: {  	[sflag:s28] =	ssyncadd.s32 $0xFFFFFFB8;
	(pc) =	sbr.rel @p1 .LBB2_4-.Ltmp3, $4  }
0xe8: {  	[spmem:s3] =	stream.indirect.scatter.add.f32 [tilespmem:s0], [sflag:$0x9], $0x80, s23, s14, $0xb8;
	[tilespmem:$0x1EF80] =	vst v63  }
0xe9: {  	_ =	swait.ge [sflag:s5], $0x2400  }
0xea: {  	[sflag:s5] =	ssyncset.done $0x0  }
0xeb: {  	[sflag:s5] =	ssyncadd.s32 $0xFFFFDC00  }
0xec: {  	_ =	swait.ge [sflag:s21], $0x2400  }
0xed: {  	[sflag:s21] =	ssyncset.done $0x0  }
0xee: {  	[sflag:s21] =	ssyncadd.s32 $0xFFFFDC00  }
0xef: {  	_ =	swait.ge [sflag:s22], $0x2400  }
0xf0: {  	[sflag:s22] =	ssyncset.done $0x0  }
0xf1: {  	[sflag:s22] =	ssyncadd.s32 $0xFFFFDC00  }
0xf2: {  	_ =	swait.ge [sflag:s16], $0x48  }
0xf3: {  	[sflag:s16] =	ssyncset.done $0x0  }
0xf4: {  	[sflag:s16] =	ssyncadd.s32 $0xFFFFFFB8  }
0xf5: {  	_ =	swait.ge [sflag:s24], $0x48  }
0xf6: {  	s4 =	simm.s32 $0x0;
	[sflag:s24] =	ssyncset.done $0x0  }
0xf7: {  	s15 =	simm.s32 $0xB600;
	s8 =	rddreg [dreg:$0x10];
	[sflag:s24] =	ssyncadd.s32 $0xFFFFFFB8  }
0xf8: {  	[tilespmem:s15], [sflag:$0x9] =	stream.linear.gather [hbm4b:s8+s4], $0x10, $0x38;
	[tilespmem:$0x1EF80] =	vst v63  }
0xf9: {  	_ =	swait.ge [sflag:s5], $0x10  }
0xfa: {  	[sflag:s5] =	ssyncset.done $0x0  }
0xfb: {  	s17 =	simm.s32 $0xB680;
	s20 =	rddreg [dreg:$0x11];
	[sflag:s5] =	ssyncadd.s32 $0xFFFFFFF0  }
0xfc: {  	[tilespmem:s17], [sflag:$0x9] =	stream.linear.gather [hbm4b:s20+s4], $0x10, $0x38;
	[tilespmem:$0x1EF80] =	vst v63  }
0xfd: {  	_ =	swait.ge [sflag:s5], $0x10  }
0xfe: {  	[sflag:s5] =	ssyncset.done $0x0  }
0xff: {  	s29 =	rddreg [dreg:$0x12];
	[sflag:s5] =	ssyncadd.s32 $0xFFFFFFF0  }
0x100: {  	[tilespmem:s4], [sflag:$0x9] =	stream.linear.gather [hbm4b:s29+s4], $0x800, $0x38;
	[tilespmem:$0x1EF80] =	vst v63  }
0x101: {  	_ =	swait.ge [sflag:s5], $0x800  }
0x102: {  	[sflag:s5] =	ssyncset.done $0x0  }
0x103: {  	s31 =	simm.s32 $0x4800;
	s20 =	simm.s32 $0x10;
	[sflag:s5] =	ssyncadd.s32 $0xFFFFF800  }
0x104: {  	[tilespmem:s31], [sflag:$0x3] =	stream.indirect.gather [hbm4b:s7+s20], $0x80, s15, s20, $0xb8;
	[tilespmem:$0x1EF80] =	vst v63  }
0x105: {  	_ =	swait.ge [sflag:s22], $0x800  }
0x106: {  	[sflag:s22] =	ssyncset.done $0x0  }
0x107: {  	s4 =	simm.s32 $0x0;
	[sflag:s22] =	ssyncadd.s32 $0xFFFFF800  }
0x108: {  	v1 =	vld [tilespmem:s4+$0x30]  }
0x109: {  	v2 =	vld [tilespmem:s4+$0x4870]  }
0x10a: {  	v3 =	vld [tilespmem:s4+$0x0]  }
0x10b: {  	v6 =	vld [tilespmem:s4+$0x10]  }
0x10c: {  	v9 =	vld [tilespmem:s4+$0x20]  }
0x10d: {  	v8 =	vld [tilespmem:s4+$0x4800]  }
0x10e: {  	v12 =	vld [tilespmem:s4+$0x4840];
	v4 =	vand.u32 $0xFFFF0000, v1  }
0x10f: {  	v5 =	vmul.f32 v4, v2;
	v4 =	vld [tilespmem:s4+$0x4810]  }
0x110: {  	v2 =	vld [tilespmem:s4+$0x4850]  }
0x111: {  	v1 =	vshll.u32 v1, $0x10;
	v11 =	vshll.u32 v3, $0x10;
	v13 =	vand.u32 $0xFFFF0000, v3;
	[tilespmem:s4+$0x9070] =	vst v5;
	v5 =	vld [tilespmem:s4+$0x4820]  }
0x112: {  	v10 =	vshll.u32 v6, $0x10;
	v7 =	vand.u32 $0xFFFF0000, v6;
	v6 =	vld [tilespmem:s4+$0x4860];
	v11 =	vmul.f32 v11, v8  }
0x113: {  	s8 =	simm.s32 $0x80;
	s15 =	simm.s32 $0x400;
	v3 =	vand.u32 $0xFFFF0000, v9;
	v8 =	vshll.u32 v9, $0x10;
	v12 =	vmul.f32 v13, v12;
	v9 =	vld [tilespmem:s4+$0x4830]  }
.LBB2_10:
0x114: {  	p1 =	sne.s32 s15, $0x1E00;
	v13 =	vld [tilespmem:s8+$0x30];
	[tilespmem:s4+$0x9000] =	vst v11;
	v4 =	vmul.f32 v10, v4  }
0x115: {  	v10 =	vld [tilespmem:s8+$0x4870];
	[tilespmem:s4+$0x9040] =	vst v12;
	v2 =	vmul.f32 v7, v2  }
0x116: {  	v7 =	vld [tilespmem:s8+$0x0];
	[tilespmem:s4+$0x9010] =	vst v4;
	v4 =	vmul.f32 v8, v5  }
0x117: {  	v5 =	vld [tilespmem:s8+$0x10];
	[tilespmem:s4+$0x9050] =	vst v2;
	v2 =	vmul.f32 v3, v6  }
0x118: {  	v3 =	vld [tilespmem:s8+$0x20];
	[tilespmem:s4+$0x9020] =	vst v4;
	v4 =	vmul.f32 v1, v9  }
0x119: {  	v6 =	vld [tilespmem:s8+$0x4800];
	v1 =	vshll.u32 v13, $0x10;
	v8 =	vand.u32 $0xFFFF0000, v13;
	[tilespmem:s4+$0x9060] =	vst v2  }
0x11a: {  	v9 =	vld [tilespmem:s8+$0x4840];
	v8 =	vmul.f32 v8, v10;
	[tilespmem:s4+$0x9030] =	vst v4;
	s4 =	smov.u32 s8  }
.Ltmp4:
0x11b: {  	v11 =	vshll.u32 v7, $0x10;
	v12 =	vand.u32 $0xFFFF0000, v7;
	v4 =	vld [tilespmem:s4+$0x4810];
	(pc) =	sbr.rel @p1 .LBB2_10-.Ltmp4, $4  }
0x11c: {  	v10 =	vshll.u32 v5, $0x10;
	v7 =	vand.u32 $0xFFFF0000, v5;
	v2 =	vld [tilespmem:s4+$0x4850];
	[tilespmem:s4+$0x9070] =	vst v8  }
0x11d: {  	v8 =	vshll.u32 v3, $0x10;
	v3 =	vand.u32 $0xFFFF0000, v3;
	v5 =	vld [tilespmem:s4+$0x4820]  }
0x11e: {  	v11 =	vmul.f32 v11, v6;
	v6 =	vld [tilespmem:s4+$0x4860]  }
0x11f: {  	s8 =	sshra.s32 s15, $0x2;
	s15 =	sadd.s32 $0x200, s15;
	v12 =	vmul.f32 v12, v9;
	v9 =	vld [tilespmem:s4+$0x4830]  }
0x120: {  	v13 =	vld [tilespmem:s8+$0x30];
	[tilespmem:s4+$0x9000] =	vst v11;
	v4 =	vmul.f32 v10, v4  }
0x121: {  	v11 =	vld [tilespmem:s8+$0x4870];
	[tilespmem:s4+$0x9040] =	vst v12;
	v2 =	vmul.f32 v7, v2  }
0x122: {  	v53 =	vld [tilespmem:s8+$0x0];
	[tilespmem:s4+$0x9010] =	vst v4;
	v5 =	vmul.f32 v8, v5  }
0x123: {  	v4 =	vld [tilespmem:s8+$0x10];
	[tilespmem:s4+$0x9050] =	vst v2;
	v3 =	vmul.f32 v3, v6  }
0x124: {  	v2 =	vld [tilespmem:s8+$0x20];
	[tilespmem:s4+$0x9020] =	vst v5;
	v1 =	vmul.f32 v1, v9  }
0x125: {  	v5 =	vld [tilespmem:s8+$0x4800];
	[tilespmem:s4+$0x9060] =	vst v3  }
0x126: {  	v54 =	vand.u32 $0xFFFF0000, v13;
	v3 =	vld [tilespmem:s8+$0x4840];
	[tilespmem:s4+$0x9030] =	vst v1  }
0x127: {  	v1 =	vmul.f32 v54, v11;
	v55 =	vld [tilespmem:s8+$0x4810]  }
0x128: {  	v59 =	vld [tilespmem:s8+$0x4860]  }
0x129: {  	v57 =	vld [tilespmem:s8+$0x4820];
	[tilespmem:s8+$0x9070] =	vst v1;
	v1 =	vshll.u32 v53, $0x10  }
0x12a: {  	v56 =	vld [tilespmem:s8+$0x4850];
	v58 =	vand.u32 $0xFFFF0000, v53;
	v1 =	vmul.f32 v1, v5  }
0x12b: {  	v61 =	vld [tilespmem:s8+$0x4830];
	v60 =	vshll.u32 v4, $0x10;
	v3 =	vmul.f32 v58, v3  }
0x12c: {  	v62 =	vshll.u32 v2, $0x10;
	v2 =	vand.u32 $0xFFFF0000, v2;
	[tilespmem:s8+$0x9000] =	vst v1;
	v1 =	vmul.f32 v60, v55  }
0x12d: {  	v2 =	vmul.f32 v2, v59;
	[tilespmem:s8+$0x9040] =	vst v3  }
0x12e: {  	v4 =	vand.u32 $0xFFFF0000, v4;
	[tilespmem:s8+$0x9010] =	vst v1;
	v1 =	vmul.f32 v62, v57  }
0x12f: {  	v63 =	vshll.u32 v13, $0x10;
	v3 =	vmul.f32 v4, v56;
	[tilespmem:s8+$0x9060] =	vst v2  }
0x130: {  	[tilespmem:s8+$0x9020] =	vst v1;
	v1 =	vmul.f32 v63, v61  }
0x131: {  	[tilespmem:s8+$0x9050] =	vst v3  }
0x132: {  	[tilespmem:s8+$0x9030] =	vst v1  }
0x133: {  	[spmem:s3] =	stream.indirect.scatter.add.f32 [tilespmem:s0], [sflag:$0x9], $0x80, s17, s20, $0xb8;
	[tilespmem:$0x1EF80] =	vst v63  }
0x134: {  	_ =	swait.ge [sflag:s5], $0x800  }
0x135: {  	[sflag:s5] =	ssyncset.done $0x0  }
0x136: {  	[sflag:s5] =	ssyncadd.s32 $0xFFFFF800  }
0x137: {  	s17 =	stileid.u32;
	[bflag:$0x0] =	sbarrier.arrive $0xFFFF  }
0x138: {  	s4 =	sshll.u32 s17, $0x6;
	s17 =	rddreg [dreg:$0x6]  }
0x139: {  	s4 =	sor.u32 $0x1C09, s4;
	s15 =	rddreg [dreg:$0xf];
	s20 =	sshrl.u32 s17, $0x3  }
0x13a: {  	[hbm:s15], [sflag:s4] =	dma.local [spmem:s20], $0x2700  }
0x13b: {  	_ =	swait.ge [sflag:s5], $0x2700  }
0x13c: {  	[sflag:s5] =	ssyncset.done $0x0;
	s20 =	rddreg [dreg:$0x19]  }
0x13d: {  	s15 =	rddreg [dreg:$0x13];
	[sflag:s5] =	ssyncadd.s32 $0xFFFFD900;
	s8 =	sshrl.u32 @!p0 s20, $0x3  }
0x13e: {  	[hbm:s15], [sflag:s4] =	dma.local @!p0 [spmem:s8], $0x100  }
0x13f: {  	s4 =	simm.s32 @!p0 $0x9  }
0x140: {  	_ =	swait.ge @!p0 [sflag:s4], $0x100  }
0x141: {  	s29 =	rddreg [dreg:$0x5]  }
0x142: {  	s31 =	rddreg [dreg:$0x14];
	s15 =	sadd.s32 $0x1, s29  }
0x143: {  	p1 =	sne.s32 s15, s31  }
.Ltmp5:
0x144: {  	_ = 	snop;
	(pc) =	sbr.rel @p1 .LBB2_1-.Ltmp5, $3  }
0x145: {  	_ =	sdelay $0x1  }
0x146: {  	[sflag:s4] =	ssyncset.done @!p0 $0x0  }
0x147: {  	[sflag:s4] =	ssyncadd.s32 @!p0 $0xFFFFFF00  }
0x148: {  	_ =	sfence.sel $0x180000  }
0x149: {  	[bflag:$0x0] =	sbarrier.arrive $0xFFFF  }
0x14a: {  	_ =	strace $0x90000047  }
0x14b: {  	[bflag:$0x2] =	sbarrier.arrive $0xFFFF  }
0x14c: {  	s0 =	rddreg [dreg:$0x4]  }
0x14d: {  	s0 =	sadd.s32 @!p0 $0x100000, s0  }
0x14e: {  	[sflag:s0] =	ssyncadd.tile.s32 @!p0 $0x1;
	_ =	shalt  }
.Lfunc_end2:
_tile_overlayer_lowered:
.L_overlay_start_2:
0x14f: {  	(tag) =	ssettag $0x2  }
0x150: {  	s0 =	rddreg [dreg:$0x0];
	s2 =	stileid.u32  }
0x151: {  	s1 =	rddreg [dreg:$0x1];
	p0 =	sne.s32 s2, $0x0  }
0x152: {  	s3 =	rddreg [dreg:$0x2];
	[bflag:$0x3] =	sbarrier.arrive $0xFFFF;
	s2 =	simm.s32 @!p0 $0x1C09  }
0x153: {  	[timem:s3], [sflag:s2] =	dma.local @!p0 [hbm:s0], s1  }
0x154: {  	s0 =	simm.s32 @!p0 $0x9  }
0x155: {  	_ =	swait.ge @!p0 [sflag:s0], s1  }
0x156: {  	s1 =	ssub.s32 @!p0 $0x0, s1;
	[sflag:s0] =	ssyncset.done @!p0 $0x0  }
0x157: {  	[sflag:s0] =	ssyncadd.s32 @!p0 s1  }
0x158: {  	[bflag:$0x3] =	sbarrier.arrive $0xFFFF  }
0x159: {  	_ =	shalt  }

</sc_bundles>
